<compile_context>
chip_gen: v7x
topology: tpu7x:2x2x1
jax: 0.10.2.dev20260603
libtpu: 0.0.44.dev20260713+nightly
codegen_flags: <defaults>
</compile_context>

<pallas_src>
import functools

import jax
import jax.numpy as jnp
from jax import lax
from jax.experimental import pallas as pl
from jax.experimental.pallas import tpu as pltpu
from jax.experimental.pallas import tpu_sc as plsc

C, H, W = 768, 224, 224
HW = H * W

_NC = 2
_NS = 16
_NW = _NC * _NS
_CPW = C // _NW
_PAIRS = _CPW // 2

_CHUNK = 1792
_NCHK = HW // _CHUNK
_KPAIRS = _NCHK // 2
_BLKS = _CHUNK // 32


def _shuffle_body(img_hbm, idxp_hbm, out_hbm, idx_v, row0, row1, ob0, ob1,
                  sg0, sg1, so0, so1):
    rows = (row0, row1)
    outb = (ob0, ob1)
    semg = (sg0, sg1)
    semo = (so0, so1)
    wid = lax.axis_index("s") * _NC + lax.axis_index("c")
    base_ch = wid * _CPW

    pltpu.sync_copy(idxp_hbm, idx_v)

    pltpu.async_copy(img_hbm.at[base_ch], row0, sg0)
    pltpu.async_copy(img_hbm.at[base_ch + 1], row1, sg1)

    def pair_body(g, carry):
        for p in (0, 1):
            ch = base_ch + 2 * g + p
            row = rows[p]
            pltpu.make_async_copy(img_hbm.at[ch], row, semg[p]).wait()

            def chunk_pair(k, carry2, p=p, ch=ch, row=row, g=g):
                for b in (0, 1):
                    ck = 2 * k + b

                    def do_wait(b=b, ch=ch, ck=ck):
                        pltpu.make_async_copy(
                            outb[b],
                            out_hbm.at[ch, pl.ds(ck * _CHUNK, _CHUNK)],
                            semo[b],
                        ).wait()

                    if p == 0:
                        pl.when(jnp.logical_or(g > 0, k > 0))(do_wait)
                    else:
                        do_wait()

                    @plsc.parallel_loop(0, _BLKS, unroll=8)
                    def _(t, b=b, ck=ck, row=row):
                        jbase = ck * (_CHUNK // 2) + 16 * t
                        v = idx_v[pl.ds(jbase, 16)]
                        lo = v & 0xFFFF
                        hi = (v >> 16) & 0xFFFF
                        outb[b][pl.ds(32 * t, 16)] = plsc.load_gather(
                            row, [lo]
                        )
                        outb[b][pl.ds(32 * t + 16, 16)] = plsc.load_gather(
                            row, [hi]
                        )

                    pltpu.async_copy(
                        outb[b],
                        out_hbm.at[ch, pl.ds(ck * _CHUNK, _CHUNK)],
                        semo[b],
                    )
                return carry2

            lax.fori_loop(0, _KPAIRS, chunk_pair, 0)

            @pl.when(g < _PAIRS - 1)
            def _(p=p, ch=ch, row=row):
                pltpu.async_copy(img_hbm.at[ch + 2], row, semg[p])

        return carry

    lax.fori_loop(0, _PAIRS, pair_body, 0)

    last_ch = base_ch + _CPW - 1
    for b in (0, 1):
        pltpu.make_async_copy(
            outb[b],
            out_hbm.at[last_ch, pl.ds((_NCHK - 2 + b) * _CHUNK, _CHUNK)],
            semo[b],
        ).wait()


@jax.jit
def _shuffle(flat_img, idxp):
    mesh = plsc.VectorSubcoreMesh(core_axis_name="c", subcore_axis_name="s")
    fn = functools.partial(
        pl.kernel,
        mesh=mesh,
        compiler_params=pltpu.CompilerParams(needs_layout_passes=False),
        out_type=jax.ShapeDtypeStruct((C, HW), jnp.float32),
        scratch_types=[
            pltpu.VMEM((HW // 2,), jnp.int32),
            pltpu.VMEM((HW,), jnp.float32),
            pltpu.VMEM((HW,), jnp.float32),
            pltpu.VMEM((_CHUNK,), jnp.float32),
            pltpu.VMEM((_CHUNK,), jnp.float32),
            pltpu.SemaphoreType.DMA,
            pltpu.SemaphoreType.DMA,
            pltpu.SemaphoreType.DMA,
            pltpu.SemaphoreType.DMA,
        ],
    )(_shuffle_body)
    return fn(flat_img, idxp)


def kernel(img, indices):
    Cc, Hh, Ww = img.shape
    flat = img.reshape(Cc, Hh * Ww)
    idx32 = indices.astype(jnp.int32)
    r = idx32.reshape(HW // 32, 2, 16)
    idxp = (r[:, 0, :] | (r[:, 1, :] << 16)).reshape(HW // 2)
    out = _shuffle(flat, idxp)
    return out.reshape(Cc, Hh, Ww)

# --- scband reference (transcript-rebuilt; emitter-appended) ---
"""Pipeline reference for scband-shuffle-pixels-8684423873311 (READ-ONLY COPY).

The authoritative reference and input builder live on the scoring server;
editing this copy changes nothing except your own understanding.
"""

import jax, jax.numpy as jnp
import numpy as np

C, H, W = 768, 224, 224

def setup_inputs(seed: int = 0) -> dict:
    key = jax.random.key(seed)
    k_img, k_perm = jax.random.split(key)
    img = jax.random.normal(k_img, (C, H, W), dtype=jnp.float32)
    # Faithful to torch.randperm(224**2): a fixed permutation of all pixel indices
    indices = jax.random.permutation(k_perm, H * W).astype(jnp.int64)
    return {"img": img, "indices": indices}

def reference(img, indices):
    # Shuffle pixels within each channel using the shared permutation.
    # torch loop over channels with pixels[INDICES] == gather along flattened HW axis.
    Cc, Hh, Ww = img.shape
    flat = img.reshape(Cc, Hh * Ww)
    shuffled = jnp.take(flat, indices, axis=1)
    return shuffled.reshape(Cc, Hh, Ww)

if __name__ == "__main__":
    import jax
    _d = setup_inputs()
    print(jax.jit(kernel)(*tuple(_d.values())))

</pallas_src>

<mosaic_0001>
#map = affine_map<(d0, d1) -> (0, 0)>
#map1 = affine_map<(d0, d1) -> (0)>
module attributes {stable_mosaic.version = 14 : i64} {
  func.func @_shuffle_body(%arg0: i32, %arg1: i32, %arg2: memref<768x50176xf32, #tpu.memory_space<hbm>>, %arg3: memref<25088xi32, #tpu.memory_space<hbm>>, %arg4: memref<768x50176xf32, #tpu.memory_space<hbm>>, %arg5: memref<25088xi32, #tpu.memory_space<vmem>>, %arg6: memref<50176xf32, #tpu.memory_space<vmem>>, %arg7: memref<50176xf32, #tpu.memory_space<vmem>>, %arg8: memref<1792xf32, #tpu.memory_space<vmem>>, %arg9: memref<1792xf32, #tpu.memory_space<vmem>>, %arg10: memref<!tpu.dma_semaphore, #tpu.memory_space<semaphore_mem>>, %arg11: memref<!tpu.dma_semaphore, #tpu.memory_space<semaphore_mem>>, %arg12: memref<!tpu.dma_semaphore, #tpu.memory_space<semaphore_mem>>, %arg13: memref<!tpu.dma_semaphore, #tpu.memory_space<semaphore_mem>>) attributes {dimension_semantics = [#tpu.dimension_semantics<core_parallel>, #tpu.dimension_semantics<subcore_parallel>], iteration_bounds = array<i64: 2, 16>, scalar_prefetch = 0 : i64, scratch_operands = 9 : i64, tpu.core_type = #tpu.core_type<sc_vector_subcore>, window_params = [{transform_indices = #map}, {transform_indices = #map1}, {transform_indices = #map}]} {
    %mul3A = arith.constant 2 : i32
    %mul3A_0 = arith.muli %arg1, %mul3A : i32
    %add3A = arith.addi %mul3A_0, %arg0 : i32
    %mul3A_1 = arith.constant 24 : i32
    %mul3A_2 = arith.muli %add3A, %mul3A_1 : i32
    "tpu.region"() ({
      %run_scoped3A = tpu.sem_alloc : memref<!tpu.dma_semaphore, #tpu.memory_space<semaphore_mem>>
      tpu.enqueue_dma source(%arg3 : memref<25088xi32, #tpu.memory_space<hbm>>) target(%arg5 : memref<25088xi32, #tpu.memory_space<vmem>>) target_semaphore(%run_scoped3A : memref<!tpu.dma_semaphore, #tpu.memory_space<semaphore_mem>>)
      tpu.wait_dma2 semaphore(%run_scoped3A : memref<!tpu.dma_semaphore, #tpu.memory_space<semaphore_mem>>) src(%arg3 : memref<25088xi32, #tpu.memory_space<hbm>>) dst(%arg5 : memref<25088xi32, #tpu.memory_space<vmem>>)
      tpu.yield
    }) : () -> ()
    %dma_start3A = arith.constant 0 : i32
    %dma_start3A_3 = tpu.memref_slice %arg2[%mul3A_2, %dma_start3A] : memref<768x50176xf32, #tpu.memory_space<hbm>> -> memref<1x50176xf32, #tpu.memory_space<hbm>>
    %dma_start3A_4 = tpu.memref_squeeze %dma_start3A_3 : memref<1x50176xf32, #tpu.memory_space<hbm>> -> memref<50176xf32, #tpu.memory_space<hbm>>
    %dma_start3A_5 = arith.constant 0 : i32
    %dma_start3A_6 = tpu.memref_slice %arg2[%mul3A_2, %dma_start3A_5] : memref<768x50176xf32, #tpu.memory_space<hbm>> -> memref<1x50176xf32, #tpu.memory_space<hbm>>
    %dma_start3A_7 = tpu.memref_squeeze %dma_start3A_6 : memref<1x50176xf32, #tpu.memory_space<hbm>> -> memref<50176xf32, #tpu.memory_space<hbm>>
    tpu.enqueue_dma source(%dma_start3A_7 : memref<50176xf32, #tpu.memory_space<hbm>>) target(%arg6 : memref<50176xf32, #tpu.memory_space<vmem>>) target_semaphore(%arg10 : memref<!tpu.dma_semaphore, #tpu.memory_space<semaphore_mem>>)
    %add3A_8 = arith.constant 1 : i32
    %add3A_9 = arith.addi %mul3A_2, %add3A_8 : i32
    %dma_start3A_10 = arith.constant 0 : i32
    %dma_start3A_11 = tpu.memref_slice %arg2[%add3A_9, %dma_start3A_10] : memref<768x50176xf32, #tpu.memory_space<hbm>> -> memref<1x50176xf32, #tpu.memory_space<hbm>>
    %dma_start3A_12 = tpu.memref_squeeze %dma_start3A_11 : memref<1x50176xf32, #tpu.memory_space<hbm>> -> memref<50176xf32, #tpu.memory_space<hbm>>
    %dma_start3A_13 = arith.constant 0 : i32
    %dma_start3A_14 = tpu.memref_slice %arg2[%add3A_9, %dma_start3A_13] : memref<768x50176xf32, #tpu.memory_space<hbm>> -> memref<1x50176xf32, #tpu.memory_space<hbm>>
    %dma_start3A_15 = tpu.memref_squeeze %dma_start3A_14 : memref<1x50176xf32, #tpu.memory_space<hbm>> -> memref<50176xf32, #tpu.memory_space<hbm>>
    tpu.enqueue_dma source(%dma_start3A_15 : memref<50176xf32, #tpu.memory_space<hbm>>) target(%arg7 : memref<50176xf32, #tpu.memory_space<vmem>>) target_semaphore(%arg11 : memref<!tpu.dma_semaphore, #tpu.memory_space<semaphore_mem>>)
    %scan3A = arith.constant 0 : i32
    %scan3A_16 = arith.constant 0 : i32
    %scan3A_17 = arith.constant 12 : i32
    %scan3A_18 = arith.addi %scan3A_16, %scan3A_17 : i32
    %scan3A_19 = arith.constant 1 : i32
    scf.for %scan3A_35 = %scan3A_16 to %scan3A_18 step %scan3A_19  : i32 {
      %mul3A_36 = arith.constant 2 : i32
      %mul3A_37 = arith.muli %mul3A_36, %scan3A_35 : i32
      %add3A_38 = arith.addi %mul3A_2, %mul3A_37 : i32
      %add3A_39 = arith.constant 0 : i32
      %add3A_40 = arith.addi %add3A_38, %add3A_39 : i32
      %dma_wait3A_41 = arith.constant 0 : i32
      %dma_wait3A_42 = tpu.memref_slice %arg2[%add3A_40, %dma_wait3A_41] : memref<768x50176xf32, #tpu.memory_space<hbm>> -> memref<1x50176xf32, #tpu.memory_space<hbm>>
      %dma_wait3A_43 = tpu.memref_squeeze %dma_wait3A_42 : memref<1x50176xf32, #tpu.memory_space<hbm>> -> memref<50176xf32, #tpu.memory_space<hbm>>
      %dma_wait3A_44 = arith.constant 0 : i32
      %dma_wait3A_45 = tpu.memref_slice %arg2[%add3A_40, %dma_wait3A_44] : memref<768x50176xf32, #tpu.memory_space<hbm>> -> memref<1x50176xf32, #tpu.memory_space<hbm>>
      %dma_wait3A_46 = tpu.memref_squeeze %dma_wait3A_45 : memref<1x50176xf32, #tpu.memory_space<hbm>> -> memref<50176xf32, #tpu.memory_space<hbm>>
      tpu.wait_dma2 semaphore(%arg10 : memref<!tpu.dma_semaphore, #tpu.memory_space<semaphore_mem>>) src(%dma_wait3A_46 : memref<50176xf32, #tpu.memory_space<hbm>>) dst(%arg6 : memref<50176xf32, #tpu.memory_space<vmem>>)
      %scan3A_47 = arith.constant 0 : i32
      %scan3A_48 = arith.constant 0 : i32
      %scan3A_49 = arith.constant 14 : i32
      %scan3A_50 = arith.addi %scan3A_48, %scan3A_49 : i32
      %scan3A_51 = arith.constant 1 : i32
      scf.for %scan3A_77 = %scan3A_48 to %scan3A_50 step %scan3A_51  : i32 {
        %mul3A_78 = arith.constant 2 : i32
        %mul3A_79 = arith.muli %mul3A_78, %scan3A_77 : i32
        %add3A_80 = arith.constant 0 : i32
        %add3A_81 = arith.addi %mul3A_79, %add3A_80 : i32
        %gt3A = arith.constant 0 : i32
        %gt3A_82 = arith.cmpi sgt, %scan3A_35, %gt3A : i32
        %gt3A_83 = arith.constant 0 : i32
        %gt3A_84 = arith.cmpi sgt, %scan3A_77, %gt3A_83 : i32
        %or3A = arith.ori %gt3A_82, %gt3A_84 : i1
        %convert_element_type3A_85 = arith.extui %or3A : i1 to i32
        %cond3A_86 = arith.constant 0 : i32
        %cond3A_87 = arith.cmpi ne, %convert_element_type3A_85, %cond3A_86 : i32
        scf.if %cond3A_87 {
          %mul3A_117 = arith.constant 1792 : i32
          %mul3A_118 = arith.muli %add3A_81, %mul3A_117 : i32
          %dma_wait3A_119 = tpu.memref_slice %arg4[%add3A_40, %mul3A_118] : memref<768x50176xf32, #tpu.memory_space<hbm>> -> memref<1x1792xf32, #tpu.memory_space<hbm>>
          %dma_wait3A_120 = tpu.memref_squeeze %dma_wait3A_119 : memref<1x1792xf32, #tpu.memory_space<hbm>> -> memref<1792xf32, #tpu.memory_space<hbm>>
          %dma_wait3A_121 = tpu.memref_slice %arg4[%add3A_40, %mul3A_118] : memref<768x50176xf32, #tpu.memory_space<hbm>> -> memref<1x1792xf32, #tpu.memory_space<hbm>>
          %dma_wait3A_122 = tpu.memref_squeeze %dma_wait3A_121 : memref<1x1792xf32, #tpu.memory_space<hbm>> -> memref<1792xf32, #tpu.memory_space<hbm>>
          tpu.wait_dma2 semaphore(%arg12 : memref<!tpu.dma_semaphore, #tpu.memory_space<semaphore_mem>>) src(%arg8 : memref<1792xf32, #tpu.memory_space<vmem>>) dst(%dma_wait3A_122 : memref<1792xf32, #tpu.memory_space<hbm>>)
        } else {
        }
        %parallel_loop3A = arith.constant 0 : i32
        %parallel_loop3A_88 = arith.constant 56 : i32
        %parallel_loop3A_89 = arith.constant 1 : i32
        scf.for %parallel_loop3A_117 = %parallel_loop3A to %parallel_loop3A_88 step %parallel_loop3A_89  : i32 {
          %parallel_loop3A_118 = arith.constant 896 : i32
          %parallel_loop3A_119 = arith.muli %add3A_81, %parallel_loop3A_118 : i32
          %parallel_loop3A_120 = arith.constant 16 : i32
          %parallel_loop3A_121 = arith.muli %parallel_loop3A_120, %parallel_loop3A_117 : i32
          %parallel_loop3A_122 = arith.addi %parallel_loop3A_119, %parallel_loop3A_121 : i32
          %parallel_loop3A_123 = arith.index_cast %parallel_loop3A_122 : i32 to index
          %parallel_loop3A_124 = tpu.vector_load %arg5[%parallel_loop3A_123] {strides = array<i32>} : memref<25088xi32, #tpu.memory_space<vmem>>, vector<16xi32>,
          %parallel_loop3A_125 = arith.constant 65535 : i32
          %parallel_loop3A_126 = vector.broadcast %parallel_loop3A_125 : i32 to vector<16xi32>
          %parallel_loop3A_127 = arith.andi %parallel_loop3A_124, %parallel_loop3A_126 : vector<16xi32>
          %parallel_loop3A_128 = arith.constant 16 : i32
          %parallel_loop3A_129 = vector.broadcast %parallel_loop3A_128 : i32 to vector<16xi32>
          %parallel_loop3A_130 = arith.shrsi %parallel_loop3A_124, %parallel_loop3A_129 : vector<16xi32>
          %parallel_loop3A_131 = arith.constant 65535 : i32
          %parallel_loop3A_132 = vector.broadcast %parallel_loop3A_131 : i32 to vector<16xi32>
          %parallel_loop3A_133 = arith.andi %parallel_loop3A_130, %parallel_loop3A_132 : vector<16xi32>
          %parallel_loop3A_134 = tpu.vector_load_idx %arg6[%parallel_loop3A_127] : memref<50176xf32, #tpu.memory_space<vmem>>[vector<16xi32>], vector<16xf32>,
          %parallel_loop3A_135 = arith.constant 32 : i32
          %parallel_loop3A_136 = arith.muli %parallel_loop3A_135, %parallel_loop3A_117 : i32
          %parallel_loop3A_137 = arith.index_cast %parallel_loop3A_136 : i32 to index
          %parallel_loop3A_138 = tpu.vector_load %arg8[%parallel_loop3A_137] {strides = array<i32>} : memref<1792xf32, #tpu.memory_space<vmem>>, vector<16xf32>,
          tpu.vector_store %arg8[%parallel_loop3A_137], %parallel_loop3A_134 {strides = array<i32>} : memref<1792xf32, #tpu.memory_space<vmem>>, vector<16xf32>,
          %parallel_loop3A_139 = tpu.vector_load_idx %arg6[%parallel_loop3A_133] : memref<50176xf32, #tpu.memory_space<vmem>>[vector<16xi32>], vector<16xf32>,
          %parallel_loop3A_140 = arith.constant 32 : i32
          %parallel_loop3A_141 = arith.muli %parallel_loop3A_140, %parallel_loop3A_117 : i32
          %parallel_loop3A_142 = arith.constant 16 : i32
          %parallel_loop3A_143 = arith.addi %parallel_loop3A_141, %parallel_loop3A_142 : i32
          %parallel_loop3A_144 = arith.index_cast %parallel_loop3A_143 : i32 to index
          %parallel_loop3A_145 = tpu.vector_load %arg8[%parallel_loop3A_144] {strides = array<i32>} : memref<1792xf32, #tpu.memory_space<vmem>>, vector<16xf32>,
          tpu.vector_store %arg8[%parallel_loop3A_144], %parallel_loop3A_139 {strides = array<i32>} : memref<1792xf32, #tpu.memory_space<vmem>>, vector<16xf32>,
        } {sc.loop_unroll_factor = 8 : i64, sc.parallel_access}
        %mul3A_90 = arith.constant 1792 : i32
        %mul3A_91 = arith.muli %add3A_81, %mul3A_90 : i32
        %dma_start3A_92 = tpu.memref_slice %arg4[%add3A_40, %mul3A_91] : memref<768x50176xf32, #tpu.memory_space<hbm>> -> memref<1x1792xf32, #tpu.memory_space<hbm>>
        %dma_start3A_93 = tpu.memref_squeeze %dma_start3A_92 : memref<1x1792xf32, #tpu.memory_space<hbm>> -> memref<1792xf32, #tpu.memory_space<hbm>>
        %dma_start3A_94 = tpu.memref_slice %arg4[%add3A_40, %mul3A_91] : memref<768x50176xf32, #tpu.memory_space<hbm>> -> memref<1x1792xf32, #tpu.memory_space<hbm>>
        %dma_start3A_95 = tpu.memref_squeeze %dma_start3A_94 : memref<1x1792xf32, #tpu.memory_space<hbm>> -> memref<1792xf32, #tpu.memory_space<hbm>>
        tpu.enqueue_dma source(%arg8 : memref<1792xf32, #tpu.memory_space<vmem>>) target(%dma_start3A_95 : memref<1792xf32, #tpu.memory_space<hbm>>) target_semaphore(%arg12 : memref<!tpu.dma_semaphore, #tpu.memory_space<semaphore_mem>>)
        %mul3A_96 = arith.constant 2 : i32
        %mul3A_97 = arith.muli %mul3A_96, %scan3A_77 : i32
        %add3A_98 = arith.constant 1 : i32
        %add3A_99 = arith.addi %mul3A_97, %add3A_98 : i32
        %gt3A_100 = arith.constant 0 : i32
        %gt3A_101 = arith.cmpi sgt, %scan3A_35, %gt3A_100 : i32
        %gt3A_102 = arith.constant 0 : i32
        %gt3A_103 = arith.cmpi sgt, %scan3A_77, %gt3A_102 : i32
        %or3A_104 = arith.ori %gt3A_101, %gt3A_103 : i1
        %convert_element_type3A_105 = arith.extui %or3A_104 : i1 to i32
        %cond3A_106 = arith.constant 0 : i32
        %cond3A_107 = arith.cmpi ne, %convert_element_type3A_105, %cond3A_106 : i32
        scf.if %cond3A_107 {
          %mul3A_117 = arith.constant 1792 : i32
          %mul3A_118 = arith.muli %add3A_99, %mul3A_117 : i32
          %dma_wait3A_119 = tpu.memref_slice %arg4[%add3A_40, %mul3A_118] : memref<768x50176xf32, #tpu.memory_space<hbm>> -> memref<1x1792xf32, #tpu.memory_space<hbm>>
          %dma_wait3A_120 = tpu.memref_squeeze %dma_wait3A_119 : memref<1x1792xf32, #tpu.memory_space<hbm>> -> memref<1792xf32, #tpu.memory_space<hbm>>
          %dma_wait3A_121 = tpu.memref_slice %arg4[%add3A_40, %mul3A_118] : memref<768x50176xf32, #tpu.memory_space<hbm>> -> memref<1x1792xf32, #tpu.memory_space<hbm>>
          %dma_wait3A_122 = tpu.memref_squeeze %dma_wait3A_121 : memref<1x1792xf32, #tpu.memory_space<hbm>> -> memref<1792xf32, #tpu.memory_space<hbm>>
          tpu.wait_dma2 semaphore(%arg13 : memref<!tpu.dma_semaphore, #tpu.memory_space<semaphore_mem>>) src(%arg9 : memref<1792xf32, #tpu.memory_space<vmem>>) dst(%dma_wait3A_122 : memref<1792xf32, #tpu.memory_space<hbm>>)
        } else {
        }
        %parallel_loop3A_108 = arith.constant 0 : i32
        %parallel_loop3A_109 = arith.constant 56 : i32
        %parallel_loop3A_110 = arith.constant 1 : i32
        scf.for %parallel_loop3A_117 = %parallel_loop3A_108 to %parallel_loop3A_109 step %parallel_loop3A_110  : i32 {
          %parallel_loop3A_118 = arith.constant 896 : i32
          %parallel_loop3A_119 = arith.muli %add3A_99, %parallel_loop3A_118 : i32
          %parallel_loop3A_120 = arith.constant 16 : i32
          %parallel_loop3A_121 = arith.muli %parallel_loop3A_120, %parallel_loop3A_117 : i32
          %parallel_loop3A_122 = arith.addi %parallel_loop3A_119, %parallel_loop3A_121 : i32
          %parallel_loop3A_123 = arith.index_cast %parallel_loop3A_122 : i32 to index
          %parallel_loop3A_124 = tpu.vector_load %arg5[%parallel_loop3A_123] {strides = array<i32>} : memref<25088xi32, #tpu.memory_space<vmem>>, vector<16xi32>,
          %parallel_loop3A_125 = arith.constant 65535 : i32
          %parallel_loop3A_126 = vector.broadcast %parallel_loop3A_125 : i32 to vector<16xi32>
          %parallel_loop3A_127 = arith.andi %parallel_loop3A_124, %parallel_loop3A_126 : vector<16xi32>
          %parallel_loop3A_128 = arith.constant 16 : i32
          %parallel_loop3A_129 = vector.broadcast %parallel_loop3A_128 : i32 to vector<16xi32>
          %parallel_loop3A_130 = arith.shrsi %parallel_loop3A_124, %parallel_loop3A_129 : vector<16xi32>
          %parallel_loop3A_131 = arith.constant 65535 : i32
          %parallel_loop3A_132 = vector.broadcast %parallel_loop3A_131 : i32 to vector<16xi32>
          %parallel_loop3A_133 = arith.andi %parallel_loop3A_130, %parallel_loop3A_132 : vector<16xi32>
          %parallel_loop3A_134 = tpu.vector_load_idx %arg6[%parallel_loop3A_127] : memref<50176xf32, #tpu.memory_space<vmem>>[vector<16xi32>], vector<16xf32>,
          %parallel_loop3A_135 = arith.constant 32 : i32
          %parallel_loop3A_136 = arith.muli %parallel_loop3A_135, %parallel_loop3A_117 : i32
          %parallel_loop3A_137 = arith.index_cast %parallel_loop3A_136 : i32 to index
          %parallel_loop3A_138 = tpu.vector_load %arg9[%parallel_loop3A_137] {strides = array<i32>} : memref<1792xf32, #tpu.memory_space<vmem>>, vector<16xf32>,
          tpu.vector_store %arg9[%parallel_loop3A_137], %parallel_loop3A_134 {strides = array<i32>} : memref<1792xf32, #tpu.memory_space<vmem>>, vector<16xf32>,
          %parallel_loop3A_139 = tpu.vector_load_idx %arg6[%parallel_loop3A_133] : memref<50176xf32, #tpu.memory_space<vmem>>[vector<16xi32>], vector<16xf32>,
          %parallel_loop3A_140 = arith.constant 32 : i32
          %parallel_loop3A_141 = arith.muli %parallel_loop3A_140, %parallel_loop3A_117 : i32
          %parallel_loop3A_142 = arith.constant 16 : i32
          %parallel_loop3A_143 = arith.addi %parallel_loop3A_141, %parallel_loop3A_142 : i32
          %parallel_loop3A_144 = arith.index_cast %parallel_loop3A_143 : i32 to index
          %parallel_loop3A_145 = tpu.vector_load %arg9[%parallel_loop3A_144] {strides = array<i32>} : memref<1792xf32, #tpu.memory_space<vmem>>, vector<16xf32>,
          tpu.vector_store %arg9[%parallel_loop3A_144], %parallel_loop3A_139 {strides = array<i32>} : memref<1792xf32, #tpu.memory_space<vmem>>, vector<16xf32>,
        } {sc.loop_unroll_factor = 8 : i64, sc.parallel_access}
        %mul3A_111 = arith.constant 1792 : i32
        %mul3A_112 = arith.muli %add3A_99, %mul3A_111 : i32
        %dma_start3A_113 = tpu.memref_slice %arg4[%add3A_40, %mul3A_112] : memref<768x50176xf32, #tpu.memory_space<hbm>> -> memref<1x1792xf32, #tpu.memory_space<hbm>>
        %dma_start3A_114 = tpu.memref_squeeze %dma_start3A_113 : memref<1x1792xf32, #tpu.memory_space<hbm>> -> memref<1792xf32, #tpu.memory_space<hbm>>
        %dma_start3A_115 = tpu.memref_slice %arg4[%add3A_40, %mul3A_112] : memref<768x50176xf32, #tpu.memory_space<hbm>> -> memref<1x1792xf32, #tpu.memory_space<hbm>>
        %dma_start3A_116 = tpu.memref_squeeze %dma_start3A_115 : memref<1x1792xf32, #tpu.memory_space<hbm>> -> memref<1792xf32, #tpu.memory_space<hbm>>
        tpu.enqueue_dma source(%arg9 : memref<1792xf32, #tpu.memory_space<vmem>>) target(%dma_start3A_116 : memref<1792xf32, #tpu.memory_space<hbm>>) target_semaphore(%arg13 : memref<!tpu.dma_semaphore, #tpu.memory_space<semaphore_mem>>)
      }
      %scan3A_52 = arith.constant 14 : i32
      %lt3A = arith.constant 11 : i32
      %lt3A_53 = arith.cmpi slt, %scan3A_35, %lt3A : i32
      %convert_element_type3A = arith.extui %lt3A_53 : i1 to i32
      %cond3A = arith.constant 0 : i32
      %cond3A_54 = arith.cmpi ne, %convert_element_type3A, %cond3A : i32
      scf.if %cond3A_54 {
        %add3A_77 = arith.constant 2 : i32
        %add3A_78 = arith.addi %add3A_40, %add3A_77 : i32
        %dma_start3A_79 = arith.constant 0 : i32
        %dma_start3A_80 = tpu.memref_slice %arg2[%add3A_78, %dma_start3A_79] : memref<768x50176xf32, #tpu.memory_space<hbm>> -> memref<1x50176xf32, #tpu.memory_space<hbm>>
        %dma_start3A_81 = tpu.memref_squeeze %dma_start3A_80 : memref<1x50176xf32, #tpu.memory_space<hbm>> -> memref<50176xf32, #tpu.memory_space<hbm>>
        %dma_start3A_82 = arith.constant 0 : i32
        %dma_start3A_83 = tpu.memref_slice %arg2[%add3A_78, %dma_start3A_82] : memref<768x50176xf32, #tpu.memory_space<hbm>> -> memref<1x50176xf32, #tpu.memory_space<hbm>>
        %dma_start3A_84 = tpu.memref_squeeze %dma_start3A_83 : memref<1x50176xf32, #tpu.memory_space<hbm>> -> memref<50176xf32, #tpu.memory_space<hbm>>
        tpu.enqueue_dma source(%dma_start3A_84 : memref<50176xf32, #tpu.memory_space<hbm>>) target(%arg6 : memref<50176xf32, #tpu.memory_space<vmem>>) target_semaphore(%arg10 : memref<!tpu.dma_semaphore, #tpu.memory_space<semaphore_mem>>)
      } else {
      }
      %mul3A_55 = arith.constant 2 : i32
      %mul3A_56 = arith.muli %mul3A_55, %scan3A_35 : i32
      %add3A_57 = arith.addi %mul3A_2, %mul3A_56 : i32
      %add3A_58 = arith.constant 1 : i32
      %add3A_59 = arith.addi %add3A_57, %add3A_58 : i32
      %dma_wait3A_60 = arith.constant 0 : i32
      %dma_wait3A_61 = tpu.memref_slice %arg2[%add3A_59, %dma_wait3A_60] : memref<768x50176xf32, #tpu.memory_space<hbm>> -> memref<1x50176xf32, #tpu.memory_space<hbm>>
      %dma_wait3A_62 = tpu.memref_squeeze %dma_wait3A_61 : memref<1x50176xf32, #tpu.memory_space<hbm>> -> memref<50176xf32, #tpu.memory_space<hbm>>
      %dma_wait3A_63 = arith.constant 0 : i32
      %dma_wait3A_64 = tpu.memref_slice %arg2[%add3A_59, %dma_wait3A_63] : memref<768x50176xf32, #tpu.memory_space<hbm>> -> memref<1x50176xf32, #tpu.memory_space<hbm>>
      %dma_wait3A_65 = tpu.memref_squeeze %dma_wait3A_64 : memref<1x50176xf32, #tpu.memory_space<hbm>> -> memref<50176xf32, #tpu.memory_space<hbm>>
      tpu.wait_dma2 semaphore(%arg11 : memref<!tpu.dma_semaphore, #tpu.memory_space<semaphore_mem>>) src(%dma_wait3A_65 : memref<50176xf32, #tpu.memory_space<hbm>>) dst(%arg7 : memref<50176xf32, #tpu.memory_space<vmem>>)
      %scan3A_66 = arith.constant 0 : i32
      %scan3A_67 = arith.constant 0 : i32
      %scan3A_68 = arith.constant 14 : i32
      %scan3A_69 = arith.addi %scan3A_67, %scan3A_68 : i32
      %scan3A_70 = arith.constant 1 : i32
      scf.for %scan3A_77 = %scan3A_67 to %scan3A_69 step %scan3A_70  : i32 {
        %mul3A_78 = arith.constant 2 : i32
        %mul3A_79 = arith.muli %mul3A_78, %scan3A_77 : i32
        %add3A_80 = arith.constant 0 : i32
        %add3A_81 = arith.addi %mul3A_79, %add3A_80 : i32
        %mul3A_82 = arith.constant 1792 : i32
        %mul3A_83 = arith.muli %add3A_81, %mul3A_82 : i32
        %dma_wait3A_84 = tpu.memref_slice %arg4[%add3A_59, %mul3A_83] : memref<768x50176xf32, #tpu.memory_space<hbm>> -> memref<1x1792xf32, #tpu.memory_space<hbm>>
        %dma_wait3A_85 = tpu.memref_squeeze %dma_wait3A_84 : memref<1x1792xf32, #tpu.memory_space<hbm>> -> memref<1792xf32, #tpu.memory_space<hbm>>
        %dma_wait3A_86 = tpu.memref_slice %arg4[%add3A_59, %mul3A_83] : memref<768x50176xf32, #tpu.memory_space<hbm>> -> memref<1x1792xf32, #tpu.memory_space<hbm>>
        %dma_wait3A_87 = tpu.memref_squeeze %dma_wait3A_86 : memref<1x1792xf32, #tpu.memory_space<hbm>> -> memref<1792xf32, #tpu.memory_space<hbm>>
        tpu.wait_dma2 semaphore(%arg12 : memref<!tpu.dma_semaphore, #tpu.memory_space<semaphore_mem>>) src(%arg8 : memref<1792xf32, #tpu.memory_space<vmem>>) dst(%dma_wait3A_87 : memref<1792xf32, #tpu.memory_space<hbm>>)
        %parallel_loop3A = arith.constant 0 : i32
        %parallel_loop3A_88 = arith.constant 56 : i32
        %parallel_loop3A_89 = arith.constant 1 : i32
        scf.for %parallel_loop3A_115 = %parallel_loop3A to %parallel_loop3A_88 step %parallel_loop3A_89  : i32 {
          %parallel_loop3A_116 = arith.constant 896 : i32
          %parallel_loop3A_117 = arith.muli %add3A_81, %parallel_loop3A_116 : i32
          %parallel_loop3A_118 = arith.constant 16 : i32
          %parallel_loop3A_119 = arith.muli %parallel_loop3A_118, %parallel_loop3A_115 : i32
          %parallel_loop3A_120 = arith.addi %parallel_loop3A_117, %parallel_loop3A_119 : i32
          %parallel_loop3A_121 = arith.index_cast %parallel_loop3A_120 : i32 to index
          %parallel_loop3A_122 = tpu.vector_load %arg5[%parallel_loop3A_121] {strides = array<i32>} : memref<25088xi32, #tpu.memory_space<vmem>>, vector<16xi32>,
          %parallel_loop3A_123 = arith.constant 65535 : i32
          %parallel_loop3A_124 = vector.broadcast %parallel_loop3A_123 : i32 to vector<16xi32>
          %parallel_loop3A_125 = arith.andi %parallel_loop3A_122, %parallel_loop3A_124 : vector<16xi32>
          %parallel_loop3A_126 = arith.constant 16 : i32
          %parallel_loop3A_127 = vector.broadcast %parallel_loop3A_126 : i32 to vector<16xi32>
          %parallel_loop3A_128 = arith.shrsi %parallel_loop3A_122, %parallel_loop3A_127 : vector<16xi32>
          %parallel_loop3A_129 = arith.constant 65535 : i32
          %parallel_loop3A_130 = vector.broadcast %parallel_loop3A_129 : i32 to vector<16xi32>
          %parallel_loop3A_131 = arith.andi %parallel_loop3A_128, %parallel_loop3A_130 : vector<16xi32>
          %parallel_loop3A_132 = tpu.vector_load_idx %arg7[%parallel_loop3A_125] : memref<50176xf32, #tpu.memory_space<vmem>>[vector<16xi32>], vector<16xf32>,
          %parallel_loop3A_133 = arith.constant 32 : i32
          %parallel_loop3A_134 = arith.muli %parallel_loop3A_133, %parallel_loop3A_115 : i32
          %parallel_loop3A_135 = arith.index_cast %parallel_loop3A_134 : i32 to index
          %parallel_loop3A_136 = tpu.vector_load %arg8[%parallel_loop3A_135] {strides = array<i32>} : memref<1792xf32, #tpu.memory_space<vmem>>, vector<16xf32>,
          tpu.vector_store %arg8[%parallel_loop3A_135], %parallel_loop3A_132 {strides = array<i32>} : memref<1792xf32, #tpu.memory_space<vmem>>, vector<16xf32>,
          %parallel_loop3A_137 = tpu.vector_load_idx %arg7[%parallel_loop3A_131] : memref<50176xf32, #tpu.memory_space<vmem>>[vector<16xi32>], vector<16xf32>,
          %parallel_loop3A_138 = arith.constant 32 : i32
          %parallel_loop3A_139 = arith.muli %parallel_loop3A_138, %parallel_loop3A_115 : i32
          %parallel_loop3A_140 = arith.constant 16 : i32
          %parallel_loop3A_141 = arith.addi %parallel_loop3A_139, %parallel_loop3A_140 : i32
          %parallel_loop3A_142 = arith.index_cast %parallel_loop3A_141 : i32 to index
          %parallel_loop3A_143 = tpu.vector_load %arg8[%parallel_loop3A_142] {strides = array<i32>} : memref<1792xf32, #tpu.memory_space<vmem>>, vector<16xf32>,
          tpu.vector_store %arg8[%parallel_loop3A_142], %parallel_loop3A_137 {strides = array<i32>} : memref<1792xf32, #tpu.memory_space<vmem>>, vector<16xf32>,
        } {sc.loop_unroll_factor = 8 : i64, sc.parallel_access}
        %mul3A_90 = arith.constant 1792 : i32
        %mul3A_91 = arith.muli %add3A_81, %mul3A_90 : i32
        %dma_start3A_92 = tpu.memref_slice %arg4[%add3A_59, %mul3A_91] : memref<768x50176xf32, #tpu.memory_space<hbm>> -> memref<1x1792xf32, #tpu.memory_space<hbm>>
        %dma_start3A_93 = tpu.memref_squeeze %dma_start3A_92 : memref<1x1792xf32, #tpu.memory_space<hbm>> -> memref<1792xf32, #tpu.memory_space<hbm>>
        %dma_start3A_94 = tpu.memref_slice %arg4[%add3A_59, %mul3A_91] : memref<768x50176xf32, #tpu.memory_space<hbm>> -> memref<1x1792xf32, #tpu.memory_space<hbm>>
        %dma_start3A_95 = tpu.memref_squeeze %dma_start3A_94 : memref<1x1792xf32, #tpu.memory_space<hbm>> -> memref<1792xf32, #tpu.memory_space<hbm>>
        tpu.enqueue_dma source(%arg8 : memref<1792xf32, #tpu.memory_space<vmem>>) target(%dma_start3A_95 : memref<1792xf32, #tpu.memory_space<hbm>>) target_semaphore(%arg12 : memref<!tpu.dma_semaphore, #tpu.memory_space<semaphore_mem>>)
        %mul3A_96 = arith.constant 2 : i32
        %mul3A_97 = arith.muli %mul3A_96, %scan3A_77 : i32
        %add3A_98 = arith.constant 1 : i32
        %add3A_99 = arith.addi %mul3A_97, %add3A_98 : i32
        %mul3A_100 = arith.constant 1792 : i32
        %mul3A_101 = arith.muli %add3A_99, %mul3A_100 : i32
        %dma_wait3A_102 = tpu.memref_slice %arg4[%add3A_59, %mul3A_101] : memref<768x50176xf32, #tpu.memory_space<hbm>> -> memref<1x1792xf32, #tpu.memory_space<hbm>>
        %dma_wait3A_103 = tpu.memref_squeeze %dma_wait3A_102 : memref<1x1792xf32, #tpu.memory_space<hbm>> -> memref<1792xf32, #tpu.memory_space<hbm>>
        %dma_wait3A_104 = tpu.memref_slice %arg4[%add3A_59, %mul3A_101] : memref<768x50176xf32, #tpu.memory_space<hbm>> -> memref<1x1792xf32, #tpu.memory_space<hbm>>
        %dma_wait3A_105 = tpu.memref_squeeze %dma_wait3A_104 : memref<1x1792xf32, #tpu.memory_space<hbm>> -> memref<1792xf32, #tpu.memory_space<hbm>>
        tpu.wait_dma2 semaphore(%arg13 : memref<!tpu.dma_semaphore, #tpu.memory_space<semaphore_mem>>) src(%arg9 : memref<1792xf32, #tpu.memory_space<vmem>>) dst(%dma_wait3A_105 : memref<1792xf32, #tpu.memory_space<hbm>>)
        %parallel_loop3A_106 = arith.constant 0 : i32
        %parallel_loop3A_107 = arith.constant 56 : i32
        %parallel_loop3A_108 = arith.constant 1 : i32
        scf.for %parallel_loop3A_115 = %parallel_loop3A_106 to %parallel_loop3A_107 step %parallel_loop3A_108  : i32 {
          %parallel_loop3A_116 = arith.constant 896 : i32
          %parallel_loop3A_117 = arith.muli %add3A_99, %parallel_loop3A_116 : i32
          %parallel_loop3A_118 = arith.constant 16 : i32
          %parallel_loop3A_119 = arith.muli %parallel_loop3A_118, %parallel_loop3A_115 : i32
          %parallel_loop3A_120 = arith.addi %parallel_loop3A_117, %parallel_loop3A_119 : i32
          %parallel_loop3A_121 = arith.index_cast %parallel_loop3A_120 : i32 to index
          %parallel_loop3A_122 = tpu.vector_load %arg5[%parallel_loop3A_121] {strides = array<i32>} : memref<25088xi32, #tpu.memory_space<vmem>>, vector<16xi32>,
          %parallel_loop3A_123 = arith.constant 65535 : i32
          %parallel_loop3A_124 = vector.broadcast %parallel_loop3A_123 : i32 to vector<16xi32>
          %parallel_loop3A_125 = arith.andi %parallel_loop3A_122, %parallel_loop3A_124 : vector<16xi32>
          %parallel_loop3A_126 = arith.constant 16 : i32
          %parallel_loop3A_127 = vector.broadcast %parallel_loop3A_126 : i32 to vector<16xi32>
          %parallel_loop3A_128 = arith.shrsi %parallel_loop3A_122, %parallel_loop3A_127 : vector<16xi32>
          %parallel_loop3A_129 = arith.constant 65535 : i32
          %parallel_loop3A_130 = vector.broadcast %parallel_loop3A_129 : i32 to vector<16xi32>
          %parallel_loop3A_131 = arith.andi %parallel_loop3A_128, %parallel_loop3A_130 : vector<16xi32>
          %parallel_loop3A_132 = tpu.vector_load_idx %arg7[%parallel_loop3A_125] : memref<50176xf32, #tpu.memory_space<vmem>>[vector<16xi32>], vector<16xf32>,
          %parallel_loop3A_133 = arith.constant 32 : i32
          %parallel_loop3A_134 = arith.muli %parallel_loop3A_133, %parallel_loop3A_115 : i32
          %parallel_loop3A_135 = arith.index_cast %parallel_loop3A_134 : i32 to index
          %parallel_loop3A_136 = tpu.vector_load %arg9[%parallel_loop3A_135] {strides = array<i32>} : memref<1792xf32, #tpu.memory_space<vmem>>, vector<16xf32>,
          tpu.vector_store %arg9[%parallel_loop3A_135], %parallel_loop3A_132 {strides = array<i32>} : memref<1792xf32, #tpu.memory_space<vmem>>, vector<16xf32>,
          %parallel_loop3A_137 = tpu.vector_load_idx %arg7[%parallel_loop3A_131] : memref<50176xf32, #tpu.memory_space<vmem>>[vector<16xi32>], vector<16xf32>,
          %parallel_loop3A_138 = arith.constant 32 : i32
          %parallel_loop3A_139 = arith.muli %parallel_loop3A_138, %parallel_loop3A_115 : i32
          %parallel_loop3A_140 = arith.constant 16 : i32
          %parallel_loop3A_141 = arith.addi %parallel_loop3A_139, %parallel_loop3A_140 : i32
          %parallel_loop3A_142 = arith.index_cast %parallel_loop3A_141 : i32 to index
          %parallel_loop3A_143 = tpu.vector_load %arg9[%parallel_loop3A_142] {strides = array<i32>} : memref<1792xf32, #tpu.memory_space<vmem>>, vector<16xf32>,
          tpu.vector_store %arg9[%parallel_loop3A_142], %parallel_loop3A_137 {strides = array<i32>} : memref<1792xf32, #tpu.memory_space<vmem>>, vector<16xf32>,
        } {sc.loop_unroll_factor = 8 : i64, sc.parallel_access}
        %mul3A_109 = arith.constant 1792 : i32
        %mul3A_110 = arith.muli %add3A_99, %mul3A_109 : i32
        %dma_start3A_111 = tpu.memref_slice %arg4[%add3A_59, %mul3A_110] : memref<768x50176xf32, #tpu.memory_space<hbm>> -> memref<1x1792xf32, #tpu.memory_space<hbm>>
        %dma_start3A_112 = tpu.memref_squeeze %dma_start3A_111 : memref<1x1792xf32, #tpu.memory_space<hbm>> -> memref<1792xf32, #tpu.memory_space<hbm>>
        %dma_start3A_113 = tpu.memref_slice %arg4[%add3A_59, %mul3A_110] : memref<768x50176xf32, #tpu.memory_space<hbm>> -> memref<1x1792xf32, #tpu.memory_space<hbm>>
        %dma_start3A_114 = tpu.memref_squeeze %dma_start3A_113 : memref<1x1792xf32, #tpu.memory_space<hbm>> -> memref<1792xf32, #tpu.memory_space<hbm>>
        tpu.enqueue_dma source(%arg9 : memref<1792xf32, #tpu.memory_space<vmem>>) target(%dma_start3A_114 : memref<1792xf32, #tpu.memory_space<hbm>>) target_semaphore(%arg13 : memref<!tpu.dma_semaphore, #tpu.memory_space<semaphore_mem>>)
      }
      %scan3A_71 = arith.constant 14 : i32
      %lt3A_72 = arith.constant 11 : i32
      %lt3A_73 = arith.cmpi slt, %scan3A_35, %lt3A_72 : i32
      %convert_element_type3A_74 = arith.extui %lt3A_73 : i1 to i32
      %cond3A_75 = arith.constant 0 : i32
      %cond3A_76 = arith.cmpi ne, %convert_element_type3A_74, %cond3A_75 : i32
      scf.if %cond3A_76 {
        %add3A_77 = arith.constant 2 : i32
        %add3A_78 = arith.addi %add3A_59, %add3A_77 : i32
        %dma_start3A_79 = arith.constant 0 : i32
        %dma_start3A_80 = tpu.memref_slice %arg2[%add3A_78, %dma_start3A_79] : memref<768x50176xf32, #tpu.memory_space<hbm>> -> memref<1x50176xf32, #tpu.memory_space<hbm>>
        %dma_start3A_81 = tpu.memref_squeeze %dma_start3A_80 : memref<1x50176xf32, #tpu.memory_space<hbm>> -> memref<50176xf32, #tpu.memory_space<hbm>>
        %dma_start3A_82 = arith.constant 0 : i32
        %dma_start3A_83 = tpu.memref_slice %arg2[%add3A_78, %dma_start3A_82] : memref<768x50176xf32, #tpu.memory_space<hbm>> -> memref<1x50176xf32, #tpu.memory_space<hbm>>
        %dma_start3A_84 = tpu.memref_squeeze %dma_start3A_83 : memref<1x50176xf32, #tpu.memory_space<hbm>> -> memref<50176xf32, #tpu.memory_space<hbm>>
        tpu.enqueue_dma source(%dma_start3A_84 : memref<50176xf32, #tpu.memory_space<hbm>>) target(%arg7 : memref<50176xf32, #tpu.memory_space<vmem>>) target_semaphore(%arg11 : memref<!tpu.dma_semaphore, #tpu.memory_space<semaphore_mem>>)
      } else {
      }
    }
    %scan3A_20 = arith.constant 12 : i32
    %add3A_21 = arith.constant 24 : i32
    %add3A_22 = arith.addi %mul3A_2, %add3A_21 : i32
    %sub3A = arith.constant 1 : i32
    %sub3A_23 = arith.subi %add3A_22, %sub3A : i32
    %dma_wait3A = arith.constant 46592 : i32
    %dma_wait3A_24 = tpu.memref_slice %arg4[%sub3A_23, %dma_wait3A] : memref<768x50176xf32, #tpu.memory_space<hbm>> -> memref<1x1792xf32, #tpu.memory_space<hbm>>
    %dma_wait3A_25 = tpu.memref_squeeze %dma_wait3A_24 : memref<1x1792xf32, #tpu.memory_space<hbm>> -> memref<1792xf32, #tpu.memory_space<hbm>>
    %dma_wait3A_26 = arith.constant 46592 : i32
    %dma_wait3A_27 = tpu.memref_slice %arg4[%sub3A_23, %dma_wait3A_26] : memref<768x50176xf32, #tpu.memory_space<hbm>> -> memref<1x1792xf32, #tpu.memory_space<hbm>>
    %dma_wait3A_28 = tpu.memref_squeeze %dma_wait3A_27 : memref<1x1792xf32, #tpu.memory_space<hbm>> -> memref<1792xf32, #tpu.memory_space<hbm>>
    tpu.wait_dma2 semaphore(%arg12 : memref<!tpu.dma_semaphore, #tpu.memory_space<semaphore_mem>>) src(%arg8 : memref<1792xf32, #tpu.memory_space<vmem>>) dst(%dma_wait3A_28 : memref<1792xf32, #tpu.memory_space<hbm>>)
    %dma_wait3A_29 = arith.constant 48384 : i32
    %dma_wait3A_30 = tpu.memref_slice %arg4[%sub3A_23, %dma_wait3A_29] : memref<768x50176xf32, #tpu.memory_space<hbm>> -> memref<1x1792xf32, #tpu.memory_space<hbm>>
    %dma_wait3A_31 = tpu.memref_squeeze %dma_wait3A_30 : memref<1x1792xf32, #tpu.memory_space<hbm>> -> memref<1792xf32, #tpu.memory_space<hbm>>
    %dma_wait3A_32 = arith.constant 48384 : i32
    %dma_wait3A_33 = tpu.memref_slice %arg4[%sub3A_23, %dma_wait3A_32] : memref<768x50176xf32, #tpu.memory_space<hbm>> -> memref<1x1792xf32, #tpu.memory_space<hbm>>
    %dma_wait3A_34 = tpu.memref_squeeze %dma_wait3A_33 : memref<1x1792xf32, #tpu.memory_space<hbm>> -> memref<1792xf32, #tpu.memory_space<hbm>>
    tpu.wait_dma2 semaphore(%arg13 : memref<!tpu.dma_semaphore, #tpu.memory_space<semaphore_mem>>) src(%arg9 : memref<1792xf32, #tpu.memory_space<vmem>>) dst(%dma_wait3A_34 : memref<1792xf32, #tpu.memory_space<hbm>>)
    return
  }
}

</mosaic_0001>

<sc_bundles>
// kernel: _shuffle.3.cloned.1.call-start
scs
__scs_entry_jumppad:
0x0: {  	(pc) =	sbr.rel $0x88, $3  }
0x1: {  	(tag) =	ssettag $0x0;
	lr =	simm.s32 $0x1  }
0x2: {  	[smem:$0x3F9F] =	sst lr;
	_ =	strace $0xD0000000  }
0x3: {  	_ = 	snop  }
0x4: {  	_ = 	snop  }
0x5: {  	_ = 	snop  }
0x6: {  	_ = 	snop  }
0x7: {  	_ = 	snop  }
__scs_overlays_trampoline_lowered:
0x8: {  	[smem:$0x3FAE] =	sst s0  }
0x9: {  	[smem:$0x3FAF] =	sst s1  }
0xa: {  	[smem:$0x3FB0] =	sst s2  }
0xb: {  	[smem:$0x3FB1] =	sst s3  }
0xc: {  	[smem:$0x3FB2] =	sst s4  }
0xd: {  	[smem:$0x3FB3] =	sst s5  }
0xe: {  	[smem:$0x3FB4] =	sst s6  }
0xf: {  	[smem:$0x3FB5] =	sst s7  }
0x10: {  	[smem:$0x3FB6] =	sst s8  }
0x11: {  	[smem:$0x3FB7] =	sst s9;
	s0 =	simm.s32 @!p0 $0x0  }
0x12: {  	s1 =	sld [smem:$0x3F9D];
	s0 =	simm.s32 @p0 $0x1  }
0x13: {  	[smem:$0x3FB8] =	sst s0;
	s0 =	simm.s32 @!p1 $0x0  }
0x14: {  	s2 =	sld [smem:$0x3F9C];
	s0 =	simm.s32 @p1 $0x1  }
0x15: {  	[smem:$0x3FB9] =	sst s0;
	s0 =	simm.s32 @!p2 $0x0  }
0x16: {  	s3 =	sld [smem:$0x3FDB];
	s0 =	simm.s32 @p2 $0x1  }
0x17: {  	s4 =	simm.s32 $0x1BF5;
	[smem:$0x3FBB] =	sst s0  }
0x18: {  	s0 =	sld [smem:$0x3F9E];
	_ =	swait.ge [sflag:s4], $0x0  }
0x19: {  	s7 =	sld [smem:$0x3F9F]  }
0x1a: {  	s8 =	sadd.s32 $0xFFFFE003, lr  }
0x1b: {  	s9 =	sadd.s32 $0xFFFFFEF7, lr;
	s5 =	simm.s32 $0xFFFFFFFF;
	p2 =	slt.u32 s8, $0xFFFFF086  }
0x1c: {  	p1 =	slt.u32 s9, $0xF7A;
	s5 =	simm.s32 @!p2 $0x0  }
0x1d: {  	s5 =	simm.s32 @p1 $0x1;
	p0 =	seq.s32 s7, s2  }
0x1e: {  	s7 =	smul.u32 @!p0 $0xF7A, s2;
	p2 =	seq.s32 @!p0 s5, $0x0  }
0x1f: {  	s9 =	smul.u32 $0xF7A, s1;
	s8 =	simm.s32 @!p0 $0x1BF5;
	p2 =	por !p2, p0  }
0x20: {  	[sflag:s8] =	ssyncset.s32 @!p0 $0xFFFFF086;
	s6 =	sadd.s32 @!p0 s3, s7;
	s7 =	simm.s32 @!p0 $0x108  }
0x21: {  	s3 =	sadd.s32 s3, s9;
	s6 =	sadd.s32 @!p0 $0x88, s6;
	s7 =	simm.s32 @p2 $0x1082  }
0x22: {  	[simem:s7], [sflag:s8] =	dma.local @!p0 [hbm:s6], $0xF7A  }
0x23: {  	s9 =	sor.u32 $0xD0000000, s2;
	s6 =	simm.s32 $0x108;
	_ =	swait.ge @!p0 [sflag:s8], $0x0  }
0x24: {  	s3 =	sadd.s32 $0x88, s3;
	s6 =	simm.s32 @!p1 $0x1082;
	[sflag:s4] =	ssyncset.s32 $0xFFFFF086  }
0x25: {  	[simem:s6], [sflag:s4] =	dma.local [hbm:s3], $0xF7A  }
0x26: {  	[smem:$0x3F9F] =	sst s1;
	(tag) =	ssettag s2;
	_ =	strace s9  }
0x27: {  	s1 =	sld [smem:$0x3FAF]  }
0x28: {  	s2 =	sld [smem:$0x3FB0]  }
0x29: {  	s4 =	sld [smem:$0x3FB2]  }
0x2a: {  	p0 =	seq.s32 s5, $0x0;
	s5 =	sld [smem:$0x3FB3]  }
0x2b: {  	s6 =	sld [smem:$0x3FB4]  }
0x2c: {  	s7 =	sld [smem:$0x3FB5]  }
0x2d: {  	s3 =	simm.s32 $0x108;
	s8 =	sld [smem:$0x3FB6]  }
0x2e: {  	s3 =	simm.s32 @!p0 $0x1082;
	s9 =	sld [smem:$0x3FB7]  }
0x2f: {  	lr =	sadd.s32 s0, s3;
	s0 =	sld [smem:$0x3FAE]  }
0x30: {  	s3 =	sld [smem:$0x3FB1]  }
0x31: {  	[smem:$0x3FBA] =	sst s10  }
0x32: {  	s10 =	sld [smem:$0x3FB8];
	_ =	sdelay $0x3  }
0x33: {  	p0 =	seq.s32 s10, $0x1;
	s10 =	sld [smem:$0x3FBA];
	_ =	sdelay $0x3  }
0x34: {  	[smem:$0x3FBA] =	sst s10  }
0x35: {  	s10 =	sld [smem:$0x3FB9];
	_ =	sdelay $0x3  }
0x36: {  	p1 =	seq.s32 s10, $0x1;
	s10 =	sld [smem:$0x3FBA];
	_ =	sdelay $0x3  }
0x37: {  	[smem:$0x3FBA] =	sst s10  }
0x38: {  	s10 =	sld [smem:$0x3FBB]  }
0x39: {  	_ = 	snop;
	(pc) =	sbr.ind lr, $3  }
0x3a: {  	_ = 	snop  }
0x3b: {  	_ = 	snop  }
0x3c: {  	p2 =	seq.s32 s10, $0x1;
	s10 =	sld [smem:$0x3FBA]  }
0x3d: {  	_ =	shalt  }
0x3e: {  	_ =	shalt  }
0x3f: {  	_ =	shalt  }
0x40: {  	_ =	shalt  }
0x41: {  	_ =	shalt  }
0x42: {  	_ =	shalt  }
0x43: {  	_ =	shalt  }
0x44: {  	_ =	shalt  }
0x45: {  	_ =	shalt  }
0x46: {  	_ =	shalt  }
0x47: {  	_ =	shalt  }
0x48: {  	_ =	shalt  }
0x49: {  	_ =	shalt  }
0x4a: {  	_ =	shalt  }
0x4b: {  	_ =	shalt  }
0x4c: {  	_ =	shalt  }
0x4d: {  	_ =	shalt  }
0x4e: {  	_ =	shalt  }
0x4f: {  	_ =	shalt  }
0x50: {  	_ =	shalt  }
0x51: {  	_ =	shalt  }
0x52: {  	_ =	shalt  }
0x53: {  	_ =	shalt  }
0x54: {  	_ =	shalt  }
0x55: {  	_ =	shalt  }
0x56: {  	_ =	shalt  }
0x57: {  	_ =	shalt  }
0x58: {  	_ =	shalt  }
0x59: {  	_ =	shalt  }
0x5a: {  	_ =	shalt  }
0x5b: {  	_ =	shalt  }
0x5c: {  	_ =	shalt  }
0x5d: {  	_ =	shalt  }
0x5e: {  	_ =	shalt  }
0x5f: {  	_ =	shalt  }
0x60: {  	_ =	shalt  }
0x61: {  	_ =	shalt  }
0x62: {  	_ =	shalt  }
0x63: {  	_ =	shalt  }
0x64: {  	_ =	shalt  }
0x65: {  	_ =	shalt  }
0x66: {  	_ =	shalt  }
0x67: {  	_ =	shalt  }
0x68: {  	_ =	shalt  }
0x69: {  	_ =	shalt  }
0x6a: {  	_ =	shalt  }
0x6b: {  	_ =	shalt  }
0x6c: {  	_ =	shalt  }
0x6d: {  	_ =	shalt  }
0x6e: {  	_ =	shalt  }
0x6f: {  	_ =	shalt  }
0x70: {  	_ =	shalt  }
0x71: {  	_ =	shalt  }
0x72: {  	_ =	shalt  }
0x73: {  	_ =	shalt  }
0x74: {  	_ =	shalt  }
0x75: {  	_ =	shalt  }
0x76: {  	_ =	shalt  }
0x77: {  	_ =	shalt  }
0x78: {  	_ =	shalt  }
0x79: {  	_ =	shalt  }
0x7a: {  	_ =	shalt  }
0x7b: {  	_ =	shalt  }
0x7c: {  	_ =	shalt  }
0x7d: {  	_ =	shalt  }
0x7e: {  	_ =	shalt  }
0x7f: {  	_ =	shalt  }
0x80: {  	_ =	shalt  }
0x81: {  	_ =	shalt  }
0x82: {  	_ =	shalt  }
0x83: {  	_ =	shalt  }
0x84: {  	_ =	shalt  }
0x85: {  	_ =	shalt  }
0x86: {  	_ =	shalt  }
0x87: {  	_ =	shalt  }
.Lfunc_end0:
.L_simem_size_0:
called_computation_lowered:
.L_overlay_start_0:
0x88: {  	s2 =	sld [smem:$0x3FD9]  }
0x89: {  	s3 =	sld [smem:$0x3FFE];
	_ =	sdelay $0x1  }
0x8a: {  	s1 =	srdreg.scid  }
0x8b: {  	s0 =	sand.u32 $0x1, s1  }
0x8c: {  	s18 =	sshll.u32 s0, $0xA;
	s2 =	sadd.s32 s3, s2  }
0x8d: {  	s2 =	sadd.s32 s2, s18  }
0x8e: {  	[smem:$0x3FC6] =	sst s2  }
0x8f: {  	_ = 	snop  }
0x90: {  	s2 =	sld [smem:$0x3FC9]  }
0x91: {  	s19 =	sld [smem:$0x3FC8]  }
0x92: {  	s4 =	sld [smem:$0x3FD0];
	(tm) =	ssettm $0x1  }
0x93: {  	s5 =	sld [smem:$0x3FFB];
	_ =	sdelay $0x3  }
0x94: {  	_ =	strace s5  }
0x95: {  	s5 =	sld [smem:$0x3FFC];
	_ =	sdelay $0x3  }
0x96: {  	_ =	strace s5  }
0x97: {  	s5 =	sld [smem:$0x3FFD];
	_ =	sdelay $0x3  }
0x98: {  	_ =	strace s5  }
0x99: {  	_ =	strace $0x8FFFFFFF  }
0x9a: {  	s20 =	sld [smem:$0x3FDB];
	_ =	sdelay $0x1  }
0x9b: {  	s6 =	simm.s32 $_scs_section_size  }
0x9c: {  	s7 =	simm.s32 $_size__tile_overlayer_lowered;
	s8 =	simm.s32 $_tile_overlayer_lowered  }
0x9d: {  	s23 =	simm.s32 $0x1BFF;
	s22 =	sshll.u32 s8, $0x1;
	s5 =	sadd.s32 s6, s20  }
0x9e: {  	s9 =	simm.s32 $0x0;
	s21 =	sshll.u32 s7, $0x1;
	s7 =	sadd.s32 s22, s5  }
0x9f: {  	[timem:s9], [sflag:s23] =	dma.local [hbm:s7], s21  }
0xa0: {  	_ =	swait.ge [sflag:s23], s21  }
0xa1: {  	s6 =	ssub.s32 $0x0, s21;
	[sflag:s23] =	ssyncset.done $0x0  }
0xa2: {  	[sflag:s23] =	ssyncadd.s32 s6;
	_ =	sdelay $0x1  }
0xa3: {  	s24 =	simm.s32 $0x1B8B  }
0xa4: {  	_ =	swait.ge [sflag:s24], $0x1  }
0xa5: {  	[sflag:s24] =	ssyncset.done $0x0  }
0xa6: {  	s25 =	simm.s32 $0x1B8E;
	[sflag:s24] =	ssyncadd.s32 $0xFFFFFFFF  }
0xa7: {  	s26 =	simm.s32 $execute0_lowered;
	[smem:$0x3FD2] =	sst s25  }
0xa8: {  	s6 =	sshll.u32 s26, $0x1;
	_ =	strace $0x80000046;
	[dreg:$0x1] =	wrdreg $0xFFFFFFFF  }
0xa9: {  	s28 =	simm.s32 $_size_execute0_lowered;
	s5 =	sadd.s32 s5, s6;
	[dreg:$0x0] =	wrdreg $0x0  }
0xaa: {  	s6 =	sshll.u32 s28, $0x1;
	[dreg:$0x2] =	wrdreg s5  }
0xab: {  	[dreg:$0x3] =	wrdreg s6  }
0xac: {  	[dreg:$0x4] =	wrdreg $0xC0  }
0xad: {  	_ =	task [dreg:s9], $0x5FFFF  }
0xae: {  	[dreg:$0x1] =	wrdreg $0xFFFFFFFF  }
0xaf: {  	[dreg:$0x0] =	wrdreg $0x60  }
0xb0: {  	[dreg:$0x2] =	wrdreg s2  }
0xb1: {  	[dreg:$0x3] =	wrdreg s19  }
0xb2: {  	[dreg:$0x4] =	wrdreg s4  }
0xb3: {  	[dreg:$0x5] =	wrdreg $0x9  }
0xb4: {  	_ =	task.clear_ibuf [dreg:s9], $0x6FFFF;
	_ =	strace $0x90000046  }
0xb5: {  	s29 =	simm.s32 $0x9;
	_ =	strace $0x80000048  }
0xb6: {  	_ =	swait.ge [sflag:s29], $0x1  }
0xb7: {  	[sflag:s29] =	ssyncadd.s32 $0xFFFFFFFF  }
0xb8: {  	_ =	strace $0x90000048  }
0xb9: {  	_ =	sfence  }
0xba: {  	s30 =	sld [smem:$0x0];
	_ =	sdelay $0x2  }
0xbb: {  	s31 =	sshll.u32 s1, $0xD;
	s1 =	sshrl.u32 s1, $0x2  }
0xbc: {  	s3 =	sand.u32 $0x4000, s31;
	s1 =	sadd.s32 s1, s30  }
0xbd: {  	s0 =	sor.u32 s3, s0;
	s1 =	sshll.u32 s1, $0x11  }
0xbe: {  	s0 =	sor.u32 s1, s0  }
0xbf: {  	s0 =	sadd.s32 $0x8F2B, s0  }
0xc0: {  	[sflag:s0] =	ssyncadd.remote.s32 $0x1  }
0xc1: {  	_ =	sfence.sel $0xFFFF  }
0xc2: {  	[dreg:$0x0] =	wrdreg $0xFFFFFFFF;
	(pc) =	sbr.abs _section_cstart, $3  }
0xc3: {  	[dreg:$0x1] =	wrdreg $0xFFFFFFFF  }
0xc4: {  	_ =	task.clear_ibuf [dreg:s9], $0x2FFFF;
	_ =	strace $0x9FFFFFFF  }
0xc5: {  	(tm) =	ssettm $0x7FFFFFFF  }
tec
execute0_lowered:
.L_overlay_start_1:
0x0: {  	(tag) =	ssettag $0x1  }
0x1: {  	s0 =	srdreg.scid;
	s1 =	stileid.u32  }
0x2: {  	s3 =	rddreg [dreg:$0x0];
	s0 =	sand.u32 $0x1, s0;
	s1 =	sshll.u32 s1, $0x1  }
0x3: {  	s5 =	rddreg [dreg:$0x2];
	s1 =	sor.u32 s0, s1  }
0x4: {  	s6 =	simm.s32 $0x0;
	s11 =	simm.s32 $0x80;
	s1 =	smul.u32 $0x18, s1  }
0x5: {  	s12 =	simm.s32 $0x400;
	s13 =	simm.s32 $0x6200;
	s14 =	simm.s32 $0x12600  }
0x6: {  	s15 =	simm.s32 $0x1;
	s0 =	ssub.s32 $0x2, s0;
	s2 =	sshrl.u32 s1, $0x3  }
0x7: {  	s16 =	simm.s32 $0x1EA00;
	s4 =	sshrl.u32 s0, $0x1;
	s2 =	smul.u32 $0xC400, s2  }
.Ltmp0:
0x8: {  	s17 =	simm.s32 $0x1F100;
	s0 =	ssub.s32 s0, s4;
	(pc) =	sbr.rel .LBB2_1-.Ltmp0, $4  }
0x9: {  	s18 =	simm.s32 $0x2;
	[smem:$0x7FF] =	sst s6;
	s0 =	smax.u32 s0, $0x1  }
0xa: {  	_ =	strace $0x80000047;
	[dreg:$0x6] =	wrdreg s0;
	s2 =	sadd.s32 s3, s2  }
0xb: {  	s19 =	simm.s32 $0x3;
	[dreg:$0x4] =	wrdreg s2;
	s2 =	sadd.s32 $0x10, s2  }
0xc: {  	s20 =	simm.s32 $0x4;
	[dreg:$0x5] =	wrdreg s2;
	s2 =	simm.s32 $0x0  }
.LBB2_16:
0xd: {  	_ =	swait.ge [sflag:s19], $0x700  }
0xe: {  	[sflag:s19] =	ssyncset.done $0x0  }
0xf: {  	[sflag:s19] =	ssyncadd.s32 $0xFFFFF900  }
0x10: {  	_ =	swait.ge [sflag:s20], $0x700  }
0x11: {  	s2 =	rddreg [dreg:$0x7]  }
0x12: {  	s0 =	rddreg [dreg:$0x6];
	s2 =	sadd.s32 $0x1, s2  }
0x13: {  	p0 =	sne.s32 s2, s0  }
.Ltmp1:
0x14: {  	_ = 	snop;
	(pc) =	sbr.rel @!p0 .LBB2_17-.Ltmp1, $3  }
0x15: {  	_ =	sdelay $0x1  }
0x16: {  	[sflag:s20] =	ssyncset.done $0x0  }
0x17: {  	[sflag:s20] =	ssyncadd.s32 $0xFFFFF900  }
.LBB2_1:
0x18: {  	[dreg:$0x7] =	wrdreg s2  }
0x19: {  	s0 =	rddreg [dreg:$0x1];
	s28 =	simm.s32 $0x0;
	s29 =	simm.s32 $0x5  }
0x1a: {  	[tilespmem:s28], [sflag:$0x5] =	stream.linear.gather [hbm4b:s0+s28], $0x6200, $0x38;
	[tilespmem:$0x1F800] =	vst v63  }
0x1b: {  	_ =	swait.ge [sflag:s29], $0x6200  }
0x1c: {  	[sflag:s29] =	ssyncset.done $0x0  }
0x1d: {  	s30 =	rddreg [dreg:$0x4];
	[sflag:s29] =	ssyncadd.s32 $0xFFFF9E00  }
0x1e: {  	[tilespmem:s13], [sflag:$0x1] =	stream.strided.gather [hbm4b:s30+s11], $0xC400, s12, s11, $0x38;
	[tilespmem:$0x1F800] =	vst v63  }
0x1f: {  	s22 =	simm.s32 $0x0;
	s31 =	rddreg [dreg:$0x5]  }
0x20: {  	[tilespmem:s14], [sflag:$0x2] =	stream.strided.gather [hbm4b:s31+s11], $0xC400, s12, s11, $0x38;
	[tilespmem:$0x1F800] =	vst v63  }
.LBB2_2:
0x21: {  	s0 =	sshll.u32 s22, $0x1  }
0x22: {  	s23 =	sadd.s32 s1, s0  }
0x23: {  	s31 =	sshll.u32 s22, $0x8;
	s0 =	sshrl.u32 s23, $0x3  }
0x24: {  	_ =	swait.ge [sflag:s15], $0xC400;
	s28 =	simm.s32 $0x0;
	s24 =	smul.u32 $0x62000, s0  }
0x25: {  	s29 =	simm.s32 $0x40;
	s25 =	sand.u32 $0x300, s31;
	[sflag:s15] =	ssyncset.done $0x0  }
0x26: {  	s30 =	simm.s32 $0x3F0;
	[sflag:s15] =	ssyncadd.s32 $0xFFFF3C00;
	s26 =	sor.u32 s25, s24  }
.LBB2_3:
0x27: {  	s0 =	sor.u32 s22, s28  }
0x28: {  	p0 =	seq.s32 s0, $0x0  }
0x29: {  	s0 =	simm.s32 @!p0 $0x3  }
0x2a: {  	_ =	swait.ge @!p0 [sflag:s0], $0x700  }
0x2b: {  	[sflag:s0] =	ssyncset.done @!p0 $0x0  }
0x2c: {  	[sflag:s0] =	ssyncadd.s32 @!p0 $0xFFFFF900  }
0x2d: {  	v0 =	vld [tilespmem:s29+$0x30]  }
0x2e: {  	v1 =	vld [tilespmem:s29+$0xFFFFFFD0]  }
0x2f: {  	v2 =	vld [tilespmem:s29+$0xFFFFFFE0]  }
0x30: {  	v3 =	vld [tilespmem:s29+$0xFFFFFFF0]  }
0x31: {  	v4 =	vld [tilespmem:s29+$0x0]  }
0x32: {  	v5 =	vld [tilespmem:s29+$0x10];
	v6 =	vand.u32 $0xFFFF, v0  }
0x33: {  	v8 =	vld [tilespmem:s29+$0x20];
	v7 =	vand.u32 $0xFFFF, v1  }
0x34: {  	v10 =	vld [tilespmem:s29+$0xFFFFFFC0];
	v9 =	vand.u32 $0xFFFF, v2  }
0x35: {  	v11 =	vand.u32 $0xFFFF, v3  }
0x36: {  	v12 =	vand.u32 $0xFFFF, v4  }
0x37: {  	v13 =	vand.u32 $0xFFFF, v5;
	v6 =	vld.idx.msk [tilespmem:v6+s13+$0x0], $0xffff  }
0x38: {  	v14 =	vand.u32 $0xFFFF, v8;
	v7 =	vld.idx.msk [tilespmem:v7+s13+$0x0], $0xffff  }
0x39: {  	v15 =	vand.u32 $0xFFFF, v10;
	v9 =	vld.idx.msk [tilespmem:v9+s13+$0x0], $0xffff  }
0x3a: {  	v0 =	vshrl.u32 v0, $0x10;
	v11 =	vld.idx.msk [tilespmem:v11+s13+$0x0], $0xffff  }
0x3b: {  	v1 =	vshrl.u32 v1, $0x10;
	v12 =	vld.idx.msk [tilespmem:v12+s13+$0x0], $0xffff  }
0x3c: {  	s31 =	simm.s32 $0x1EA80;
	v2 =	vshrl.u32 v2, $0x10;
	v13 =	vld.idx.msk [tilespmem:v13+s13+$0x0], $0xffff  }
0x3d: {  	v3 =	vshrl.u32 v3, $0x10;
	v14 =	vld.idx.msk [tilespmem:v14+s13+$0x0], $0xffff;
	[tilespmem:s31+$0x60] =	vst v6  }
0x3e: {  	v16 =	vshrl.u32 v4, $0x10;
	[tilespmem:s31+$0xFFFFFFA0] =	vst v7;
	v6 =	vld.idx.msk [tilespmem:v15+s13+$0x0], $0xffff  }
0x3f: {  	v7 =	vshrl.u32 v5, $0x10;
	[tilespmem:s31+$0xFFFFFFC0] =	vst v9;
	v17 =	vld.idx.msk [tilespmem:v0+s13+$0x0], $0xffff  }
0x40: {  	[tilespmem:s31+$0xFFFFFFE0] =	vst v11;
	v4 =	vld.idx.msk [tilespmem:v1+s13+$0x0], $0xffff  }
0x41: {  	[tilespmem:s31+$0x0] =	vst v12;
	v2 =	vld.idx.msk [tilespmem:v2+s13+$0x0], $0xffff  }
0x42: {  	s2 =	simm.s32 $0xE0;
	s9 =	simm.s32 $0x20;
	[tilespmem:s31+$0x20] =	vst v13;
	v3 =	vld.idx.msk [tilespmem:v3+s13+$0x0], $0xffff  }
0x43: {  	s6 =	simm.s32 $0x40;
	s7 =	simm.s32 $0x60;
	s4 =	sor.u32 $0x70, s2;
	[tilespmem:s31+$0x40] =	vst v14;
	v5 =	vld.idx.msk [tilespmem:v16+s13+$0x0], $0xffff  }
0x44: {  	s8 =	simm.s32 $0xA0;
	s0 =	simm.s32 $0x0;
	v0 =	vshrl.u32 v8, $0x10;
	v1 =	vshrl.u32 v10, $0x10;
	v7 =	vld.idx.msk [tilespmem:v7+s13+$0x0], $0xffff;
	[tilespmem:s4+$0x1EA00] =	vst v17;
	s4 =	sadd.s32 $0x80, s29  }
.LBB2_4:
0x45: {  	v8 =	vld [tilespmem:s4+$0x30];
	s0 =	sadd.s32 $0x8, s0;
	[tilespmem:s31+$0xFFFFFF80] =	vst v6;
	s9 =	sor.u32 $0x30, s9;
	s10 =	sadd.s32 $0xFFFFFFE0, s2  }
0x46: {  	s6 =	sor.u32 $0x50, s6;
	s7 =	sor.u32 $0x70, s7;
	v6 =	vld [tilespmem:s4+$0xFFFFFFD0];
	p1 =	slt.u32 s0, $0x30;
	[tilespmem:s9+$0x1EA00] =	vst v4  }
0x47: {  	v4 =	vld [tilespmem:s4+$0xFFFFFFE0];
	[tilespmem:s6+$0x1EA00] =	vst v2;
	s6 =	sor.u32 $0x30, s8;
	s8 =	sor.u32 $0x50, s10  }
0x48: {  	v2 =	vld [tilespmem:s4+$0xFFFFFFF0];
	[tilespmem:s7+$0x1EA00] =	vst v3  }
0x49: {  	v3 =	vld [tilespmem:s4+$0x0];
	[tilespmem:s31+$0x10] =	vst v5  }
0x4a: {  	v5 =	vld [tilespmem:s4+$0x10];
	v9 =	vand.u32 $0xFFFF, v8;
	[tilespmem:s6+$0x1EA00] =	vst v7  }
0x4b: {  	v7 =	vshrl.u32 v6, $0x10;
	v6 =	vand.u32 $0xFFFF, v6;
	v10 =	vld [tilespmem:s4+$0x20]  }
0x4c: {  	v11 =	vld [tilespmem:s4+$0xFFFFFFC0];
	v12 =	vshrl.u32 v4, $0x10;
	v4 =	vand.u32 $0xFFFF, v4  }
0x4d: {  	v13 =	vshrl.u32 v2, $0x10;
	v2 =	vand.u32 $0xFFFF, v2;
	v14 =	vld.idx.msk [tilespmem:v1+s13+$0x0], $0xffff  }
0x4e: {  	v15 =	vshrl.u32 v3, $0x10;
	v3 =	vand.u32 $0xFFFF, v3;
	v16 =	vld.idx.msk [tilespmem:v0+s13+$0x0], $0xffff  }
0x4f: {  	v17 =	vshrl.u32 v5, $0x10;
	v5 =	vand.u32 $0xFFFF, v5;
	v9 =	vld.idx.msk [tilespmem:v9+s13+$0x0], $0xffff  }
0x50: {  	v6 =	vld.idx.msk [tilespmem:v6+s13+$0x0], $0xffff;
	v0 =	vshrl.u32 v10, $0x10;
	v10 =	vand.u32 $0xFFFF, v10  }
0x51: {  	v8 =	vshrl.u32 v8, $0x10;
	v1 =	vshrl.u32 v11, $0x10;
	v11 =	vand.u32 $0xFFFF, v11;
	v4 =	vld.idx.msk [tilespmem:v4+s13+$0x0], $0xffff  }
0x52: {  	v2 =	vld.idx.msk [tilespmem:v2+s13+$0x0], $0xffff  }
0x53: {  	v3 =	vld.idx.msk [tilespmem:v3+s13+$0x0], $0xffff;
	[tilespmem:s31+$0xFFFFFF90] =	vst v14  }
0x54: {  	s31 =	sadd.s32 $0x100, s31;
	v5 =	vld.idx.msk [tilespmem:v5+s13+$0x0], $0xffff;
	[tilespmem:s8+$0x1EA00] =	vst v16  }
0x55: {  	v10 =	vld.idx.msk [tilespmem:v10+s13+$0x0], $0xffff;
	[tilespmem:s31+$0x60] =	vst v9  }
0x56: {  	[tilespmem:s31+$0xFFFFFFA0] =	vst v6;
	v8 =	vld.idx.msk [tilespmem:v8+s13+$0x0], $0xffff  }
0x57: {  	v6 =	vld.idx.msk [tilespmem:v11+s13+$0x0], $0xffff;
	[tilespmem:s31+$0xFFFFFFC0] =	vst v4  }
.Ltmp2:
0x58: {  	v4 =	vld.idx.msk [tilespmem:v7+s13+$0x0], $0xffff;
	[tilespmem:s31+$0xFFFFFFE0] =	vst v2;
	(pc) =	sbr.rel @p1 .LBB2_4-.Ltmp2, $4  }
0x59: {  	v2 =	vld.idx.msk [tilespmem:v12+s13+$0x0], $0xffff;
	[tilespmem:s31+$0x0] =	vst v3  }
0x5a: {  	s2 =	sadd.s32 $0x100, s2;
	v3 =	vld.idx.msk [tilespmem:v13+s13+$0x0], $0xffff;
	[tilespmem:s31+$0x20] =	vst v5  }
0x5b: {  	s9 =	sadd.s32 $0xFFFFFF40, s2;
	s10 =	sor.u32 $0x70, s2;
	s6 =	sadd.s32 $0xFFFFFF60, s2;
	v5 =	vld.idx.msk [tilespmem:v15+s13+$0x0], $0xffff;
	[tilespmem:s31+$0x40] =	vst v10  }
0x5c: {  	s7 =	sadd.s32 $0xFFFFFF80, s2;
	s4 =	sadd.s32 $0x80, s4;
	s8 =	sadd.s32 $0xFFFFFFC0, s2;
	v7 =	vld.idx.msk [tilespmem:v17+s13+$0x0], $0xffff;
	[tilespmem:s10+$0x1EA00] =	vst v8  }
0x5d: {  	_ =	sdelay $0x2  }
0x5e: {  	[tilespmem:s31+$0xFFFFFF80] =	vst v6;
	s0 =	sor.u32 $0x30, s9  }
0x5f: {  	s6 =	sor.u32 $0x50, s6;
	v0 =	vld.idx.msk [tilespmem:v0+s13+$0x0], $0xffff;
	[tilespmem:s0+$0x1EA00] =	vst v4  }
0x60: {  	s4 =	sor.u32 $0x70, s7;
	v1 =	vld.idx.msk [tilespmem:v1+s13+$0x0], $0xffff;
	[tilespmem:s6+$0x1EA00] =	vst v2  }
0x61: {  	s9 =	smul.u32 $0x7000, s28;
	[tilespmem:s4+$0x1EA00] =	vst v3  }
0x62: {  	s10 =	sor.u32 $0x30, s8;
	s2 =	sadd.s32 $0xFFFFFFE0, s2;
	[tilespmem:s31+$0x10] =	vst v5  }
0x63: {  	s2 =	sor.u32 $0x50, s2;
	s0 =	sadd.s32 s26, s9;
	[tilespmem:s10+$0x1EA00] =	vst v7  }
0x64: {  	s0 =	sshrl.u32 s0, $0x3;
	[tilespmem:s2+$0x1EA00] =	vst v0  }
0x65: {  	s0 =	sadd.s32 s5, s0;
	[tilespmem:s31+$0xFFFFFF90] =	vst v1  }
0x66: {  	[hbm4b:s0+s11] =	stream.strided.scatter [tilespmem:s16], [sflag:$0x3], $0x700, s12, s11, $0x38;
	[tilespmem:$0x1F800] =	vst v63  }
0x67: {  	s0 =	simm.s32 @!p0 $0x4  }
0x68: {  	_ =	swait.ge @!p0 [sflag:s0], $0x700  }
0x69: {  	[sflag:s0] =	ssyncset.done @!p0 $0x0  }
0x6a: {  	[sflag:s0] =	ssyncadd.s32 @!p0 $0xFFFFF900  }
0x6b: {  	v0 =	vld [tilespmem:s30+$0x0]  }
0x6c: {  	v1 =	vld [tilespmem:s30+$0xFFFFFFA0]  }
0x6d: {  	v2 =	vld [tilespmem:s30+$0xFFFFFFB0]  }
0x6e: {  	v3 =	vld [tilespmem:s30+$0xFFFFFFC0]  }
0x6f: {  	v4 =	vld [tilespmem:s30+$0xFFFFFFD0]  }
0x70: {  	v5 =	vld [tilespmem:s30+$0xFFFFFFE0];
	v6 =	vand.u32 $0xFFFF, v0  }
0x71: {  	v8 =	vld [tilespmem:s30+$0xFFFFFFF0];
	v7 =	vand.u32 $0xFFFF, v1  }
0x72: {  	v10 =	vld [tilespmem:s30+$0xFFFFFF90];
	v9 =	vand.u32 $0xFFFF, v2  }
0x73: {  	v11 =	vand.u32 $0xFFFF, v3  }
0x74: {  	v12 =	vand.u32 $0xFFFF, v4  }
0x75: {  	v13 =	vand.u32 $0xFFFF, v5;
	v6 =	vld.idx.msk [tilespmem:v6+s13+$0x0], $0xffff  }
0x76: {  	v14 =	vand.u32 $0xFFFF, v8;
	v7 =	vld.idx.msk [tilespmem:v7+s13+$0x0], $0xffff  }
0x77: {  	v15 =	vand.u32 $0xFFFF, v10;
	v9 =	vld.idx.msk [tilespmem:v9+s13+$0x0], $0xffff  }
0x78: {  	v0 =	vshrl.u32 v0, $0x10;
	v11 =	vld.idx.msk [tilespmem:v11+s13+$0x0], $0xffff  }
0x79: {  	v1 =	vshrl.u32 v1, $0x10;
	v12 =	vld.idx.msk [tilespmem:v12+s13+$0x0], $0xffff  }
0x7a: {  	s31 =	simm.s32 $0x1F180;
	v2 =	vshrl.u32 v2, $0x10;
	v13 =	vld.idx.msk [tilespmem:v13+s13+$0x0], $0xffff  }
0x7b: {  	v3 =	vshrl.u32 v3, $0x10;
	v14 =	vld.idx.msk [tilespmem:v14+s13+$0x0], $0xffff;
	[tilespmem:s31+$0x60] =	vst v6  }
0x7c: {  	v16 =	vshrl.u32 v4, $0x10;
	[tilespmem:s31+$0xFFFFFFA0] =	vst v7;
	v6 =	vld.idx.msk [tilespmem:v15+s13+$0x0], $0xffff  }
0x7d: {  	v7 =	vshrl.u32 v5, $0x10;
	[tilespmem:s31+$0xFFFFFFC0] =	vst v9;
	v17 =	vld.idx.msk [tilespmem:v0+s13+$0x0], $0xffff  }
0x7e: {  	[tilespmem:s31+$0xFFFFFFE0] =	vst v11;
	v4 =	vld.idx.msk [tilespmem:v1+s13+$0x0], $0xffff  }
0x7f: {  	[tilespmem:s31+$0x0] =	vst v12;
	v2 =	vld.idx.msk [tilespmem:v2+s13+$0x0], $0xffff  }
0x80: {  	s7 =	simm.s32 $0x20;
	s8 =	simm.s32 $0x40;
	s2 =	simm.s32 $0xE0;
	[tilespmem:s31+$0x20] =	vst v13;
	v3 =	vld.idx.msk [tilespmem:v3+s13+$0x0], $0xffff  }
0x81: {  	s6 =	sadd.s32 $0x80, s30;
	s4 =	simm.s32 $0x0;
	s21 =	sor.u32 $0x70, s2;
	[tilespmem:s31+$0x40] =	vst v14;
	v5 =	vld.idx.msk [tilespmem:v16+s13+$0x0], $0xffff  }
0x82: {  	s9 =	simm.s32 $0xA0;
	s10 =	simm.s32 $0x60;
	s0 =	sshllo.u32 s28, $0x1;
	v0 =	vshrl.u32 v8, $0x10;
	v1 =	vshrl.u32 v10, $0x10;
	v7 =	vld.idx.msk [tilespmem:v7+s13+$0x0], $0xffff;
	[tilespmem:s21+$0x1F100] =	vst v17  }
.LBB2_6:
0x83: {  	v8 =	vld [tilespmem:s6+$0x0];
	s4 =	sadd.s32 $0x8, s4;
	[tilespmem:s31+$0xFFFFFF80] =	vst v6;
	s7 =	sor.u32 $0x30, s7;
	s21 =	sadd.s32 $0xFFFFFFE0, s2  }
0x84: {  	v6 =	vld [tilespmem:s6+$0xFFFFFFA0];
	p0 =	slt.u32 s4, $0x30;
	[tilespmem:s7+$0x1F100] =	vst v4;
	s7 =	sor.u32 $0x50, s8;
	s8 =	sor.u32 $0x70, s10  }
0x85: {  	v4 =	vld [tilespmem:s6+$0xFFFFFFB0];
	[tilespmem:s7+$0x1F100] =	vst v2;
	s7 =	sor.u32 $0x30, s9;
	s9 =	sor.u32 $0x50, s21  }
0x86: {  	v2 =	vld [tilespmem:s6+$0xFFFFFFC0];
	[tilespmem:s8+$0x1F100] =	vst v3  }
0x87: {  	v3 =	vld [tilespmem:s6+$0xFFFFFFD0];
	[tilespmem:s31+$0x10] =	vst v5  }
0x88: {  	v5 =	vld [tilespmem:s6+$0xFFFFFFE0];
	v9 =	vand.u32 $0xFFFF, v8;
	[tilespmem:s7+$0x1F100] =	vst v7  }
0x89: {  	v7 =	vshrl.u32 v6, $0x10;
	v6 =	vand.u32 $0xFFFF, v6;
	v10 =	vld [tilespmem:s6+$0xFFFFFFF0]  }
0x8a: {  	v11 =	vld [tilespmem:s6+$0xFFFFFF90];
	v12 =	vshrl.u32 v4, $0x10;
	v4 =	vand.u32 $0xFFFF, v4  }
0x8b: {  	v13 =	vshrl.u32 v2, $0x10;
	v2 =	vand.u32 $0xFFFF, v2;
	v14 =	vld.idx.msk [tilespmem:v1+s13+$0x0], $0xffff  }
0x8c: {  	v15 =	vshrl.u32 v3, $0x10;
	v3 =	vand.u32 $0xFFFF, v3;
	v16 =	vld.idx.msk [tilespmem:v0+s13+$0x0], $0xffff  }
0x8d: {  	v17 =	vshrl.u32 v5, $0x10;
	v5 =	vand.u32 $0xFFFF, v5;
	v9 =	vld.idx.msk [tilespmem:v9+s13+$0x0], $0xffff  }
0x8e: {  	v6 =	vld.idx.msk [tilespmem:v6+s13+$0x0], $0xffff;
	v0 =	vshrl.u32 v10, $0x10;
	v10 =	vand.u32 $0xFFFF, v10  }
0x8f: {  	v8 =	vshrl.u32 v8, $0x10;
	v1 =	vshrl.u32 v11, $0x10;
	v11 =	vand.u32 $0xFFFF, v11;
	v4 =	vld.idx.msk [tilespmem:v4+s13+$0x0], $0xffff  }
0x90: {  	v2 =	vld.idx.msk [tilespmem:v2+s13+$0x0], $0xffff  }
0x91: {  	v3 =	vld.idx.msk [tilespmem:v3+s13+$0x0], $0xffff;
	[tilespmem:s31+$0xFFFFFF90] =	vst v14  }
0x92: {  	s31 =	sadd.s32 $0x100, s31;
	v5 =	vld.idx.msk [tilespmem:v5+s13+$0x0], $0xffff;
	[tilespmem:s9+$0x1F100] =	vst v16  }
0x93: {  	v10 =	vld.idx.msk [tilespmem:v10+s13+$0x0], $0xffff;
	[tilespmem:s31+$0x60] =	vst v9  }
0x94: {  	[tilespmem:s31+$0xFFFFFFA0] =	vst v6;
	v8 =	vld.idx.msk [tilespmem:v8+s13+$0x0], $0xffff  }
0x95: {  	v6 =	vld.idx.msk [tilespmem:v11+s13+$0x0], $0xffff;
	[tilespmem:s31+$0xFFFFFFC0] =	vst v4  }
.Ltmp3:
0x96: {  	v4 =	vld.idx.msk [tilespmem:v7+s13+$0x0], $0xffff;
	[tilespmem:s31+$0xFFFFFFE0] =	vst v2;
	(pc) =	sbr.rel @p0 .LBB2_6-.Ltmp3, $4  }
0x97: {  	v2 =	vld.idx.msk [tilespmem:v12+s13+$0x0], $0xffff;
	[tilespmem:s31+$0x0] =	vst v3  }
0x98: {  	s2 =	sadd.s32 $0x100, s2;
	v3 =	vld.idx.msk [tilespmem:v13+s13+$0x0], $0xffff;
	[tilespmem:s31+$0x20] =	vst v5  }
0x99: {  	s21 =	sor.u32 $0x70, s2;
	s8 =	sadd.s32 $0xFFFFFF60, s2;
	s7 =	sadd.s32 $0xFFFFFF40, s2;
	v5 =	vld.idx.msk [tilespmem:v15+s13+$0x0], $0xffff;
	[tilespmem:s31+$0x40] =	vst v10  }
0x9a: {  	s10 =	sadd.s32 $0xFFFFFF80, s2;
	s6 =	sadd.s32 $0x80, s6;
	s9 =	sadd.s32 $0xFFFFFFC0, s2;
	v7 =	vld.idx.msk [tilespmem:v17+s13+$0x0], $0xffff;
	[tilespmem:s21+$0x1F100] =	vst v8  }
0x9b: {  	_ =	sdelay $0x2  }
0x9c: {  	[tilespmem:s31+$0xFFFFFF80] =	vst v6;
	s4 =	sor.u32 $0x30, s7  }
0x9d: {  	s8 =	sor.u32 $0x50, s8;
	v0 =	vld.idx.msk [tilespmem:v0+s13+$0x0], $0xffff;
	[tilespmem:s4+$0x1F100] =	vst v4  }
0x9e: {  	s6 =	sor.u32 $0x70, s10;
	s28 =	sadd.s32 $0x1, s28;
	v1 =	vld.idx.msk [tilespmem:v1+s13+$0x0], $0xffff;
	[tilespmem:s8+$0x1F100] =	vst v2  }
0x9f: {  	s0 =	smul.u32 $0x3800, s0;
	p0 =	sne.s32 s28, $0xE;
	[tilespmem:s6+$0x1F100] =	vst v3  }
.Ltmp4:
0xa0: {  	s21 =	sor.u32 $0x30, s9;
	s2 =	sadd.s32 $0xFFFFFFE0, s2;
	[tilespmem:s31+$0x10] =	vst v5;
	(pc) =	sbr.rel @p0 .LBB2_3-.Ltmp4, $4  }
0xa1: {  	s2 =	sor.u32 $0x50, s2;
	s0 =	sadd.s32 s26, s0;
	[tilespmem:s21+$0x1F100] =	vst v7  }
0xa2: {  	s0 =	sshrl.u32 s0, $0x3;
	[tilespmem:s2+$0x1F100] =	vst v0  }
0xa3: {  	s29 =	sadd.s32 $0x700, s29;
	s30 =	sadd.s32 $0x700, s30;
	s0 =	sadd.s32 s5, s0;
	[tilespmem:s31+$0xFFFFFF90] =	vst v1  }
0xa4: {  	[hbm4b:s0+s11] =	stream.strided.scatter [tilespmem:s17], [sflag:$0x4], $0x700, s12, s11, $0x38;
	[tilespmem:$0x1F800] =	vst v63  }
0xa5: {  	p0 =	seq.s32 s22, $0xB  }
0xa6: {  	s0 =	sadd.s32 @!p0 $0x2, s23  }
0xa7: {  	s2 =	sshrl.u32 @!p0 s0, $0x3  }
0xa8: {  	s0 =	sshll.u32 @!p0 s0, $0x7;
	s2 =	smul.u32 @!p0 $0x62000, s2  }
0xa9: {  	s0 =	sand.u32 @!p0 $0x300, s0  }
0xaa: {  	s0 =	sor.u32 @!p0 s0, s2  }
0xab: {  	s4 =	simm.s32 @!p0 $0x400;
	s0 =	sshrl.u32 @!p0 s0, $0x3  }
0xac: {  	s6 =	simm.s32 @!p0 $0x6200;
	s2 =	simm.s32 @!p0 $0x80;
	s0 =	sadd.s32 @!p0 s3, s0  }
0xad: {  	[tilespmem:s6], [sflag:$0x1] =	stream.strided.gather @!p0 [hbm4b:s0+s2], $0xC400, s4, s2, $0x38;
	[tilespmem:$0x1F800] =	vst v63  }
0xae: {  	s31 =	sor.u32 s24, s25;
	_ =	swait.ge [sflag:s18], $0xC400  }
0xaf: {  	s25 =	simm.s32 $0x0;
	s26 =	simm.s32 $0x40;
	[sflag:s18] =	ssyncset.done $0x0  }
0xb0: {  	s28 =	simm.s32 $0x3F0;
	s24 =	sor.u32 $0x80, s31;
	[sflag:s18] =	ssyncadd.s32 $0xFFFF3C00  }
.LBB2_9:
0xb1: {  	_ =	swait.ge [sflag:s19], $0x700  }
0xb2: {  	[sflag:s19] =	ssyncset.done $0x0  }
0xb3: {  	[sflag:s19] =	ssyncadd.s32 $0xFFFFF900  }
0xb4: {  	v0 =	vld [tilespmem:s26+$0x30]  }
0xb5: {  	v1 =	vld [tilespmem:s26+$0xFFFFFFD0]  }
0xb6: {  	v2 =	vld [tilespmem:s26+$0xFFFFFFE0]  }
0xb7: {  	v3 =	vld [tilespmem:s26+$0xFFFFFFF0]  }
0xb8: {  	v4 =	vld [tilespmem:s26+$0x0]  }
0xb9: {  	v5 =	vld [tilespmem:s26+$0x10];
	v6 =	vand.u32 $0xFFFF, v0  }
0xba: {  	v8 =	vld [tilespmem:s26+$0x20];
	v7 =	vand.u32 $0xFFFF, v1  }
0xbb: {  	v10 =	vld [tilespmem:s26+$0xFFFFFFC0];
	v9 =	vand.u32 $0xFFFF, v2  }
0xbc: {  	v11 =	vand.u32 $0xFFFF, v3  }
0xbd: {  	v12 =	vand.u32 $0xFFFF, v4  }
0xbe: {  	v13 =	vand.u32 $0xFFFF, v5;
	v6 =	vld.idx.msk [tilespmem:v6+s14+$0x0], $0xffff  }
0xbf: {  	v14 =	vand.u32 $0xFFFF, v8;
	v7 =	vld.idx.msk [tilespmem:v7+s14+$0x0], $0xffff  }
0xc0: {  	v15 =	vand.u32 $0xFFFF, v10;
	v9 =	vld.idx.msk [tilespmem:v9+s14+$0x0], $0xffff  }
0xc1: {  	v0 =	vshrl.u32 v0, $0x10;
	v11 =	vld.idx.msk [tilespmem:v11+s14+$0x0], $0xffff  }
0xc2: {  	v1 =	vshrl.u32 v1, $0x10;
	v12 =	vld.idx.msk [tilespmem:v12+s14+$0x0], $0xffff  }
0xc3: {  	s29 =	simm.s32 $0x1EA80;
	v2 =	vshrl.u32 v2, $0x10;
	v13 =	vld.idx.msk [tilespmem:v13+s14+$0x0], $0xffff  }
0xc4: {  	v3 =	vshrl.u32 v3, $0x10;
	v14 =	vld.idx.msk [tilespmem:v14+s14+$0x0], $0xffff;
	[tilespmem:s29+$0x60] =	vst v6  }
0xc5: {  	v6 =	vshrl.u32 v4, $0x10;
	[tilespmem:s29+$0xFFFFFFA0] =	vst v7;
	v7 =	vshrl.u32 v5, $0x10;
	v5 =	vld.idx.msk [tilespmem:v15+s14+$0x0], $0xffff  }
0xc6: {  	[tilespmem:s29+$0xFFFFFFC0] =	vst v9;
	v16 =	vld.idx.msk [tilespmem:v0+s14+$0x0], $0xffff  }
0xc7: {  	s0 =	smul.u32 $0x7000, s25;
	[tilespmem:s29+$0xFFFFFFE0] =	vst v11;
	v4 =	vld.idx.msk [tilespmem:v1+s14+$0x0], $0xffff  }
0xc8: {  	s2 =	simm.s32 $0xE0;
	s7 =	simm.s32 $0x20;
	[tilespmem:s29+$0x0] =	vst v12;
	v2 =	vld.idx.msk [tilespmem:v2+s14+$0x0], $0xffff  }
0xc9: {  	s6 =	simm.s32 $0x40;
	s9 =	simm.s32 $0x60;
	s0 =	sadd.s32 s24, s0;
	[tilespmem:s29+$0x20] =	vst v13;
	v3 =	vld.idx.msk [tilespmem:v3+s14+$0x0], $0xffff  }
0xca: {  	s8 =	simm.s32 $0xA0;
	s4 =	sor.u32 $0x70, s2;
	s0 =	sshrl.u32 s0, $0x3;
	[tilespmem:s29+$0x40] =	vst v14;
	v6 =	vld.idx.msk [tilespmem:v6+s14+$0x0], $0xffff  }
0xcb: {  	s30 =	sadd.s32 s5, s0;
	s0 =	simm.s32 $0x0;
	v0 =	vshrl.u32 v8, $0x10;
	v1 =	vshrl.u32 v10, $0x10;
	v7 =	vld.idx.msk [tilespmem:v7+s14+$0x0], $0xffff;
	[tilespmem:s4+$0x1EA00] =	vst v16;
	s4 =	sadd.s32 $0x80, s26  }
.LBB2_10:
0xcc: {  	v8 =	vld [tilespmem:s4+$0x30];
	s0 =	sadd.s32 $0x8, s0;
	[tilespmem:s29+$0xFFFFFF80] =	vst v5;
	s7 =	sor.u32 $0x30, s7;
	s10 =	sadd.s32 $0xFFFFFFE0, s2  }
0xcd: {  	s6 =	sor.u32 $0x50, s6;
	v5 =	vld [tilespmem:s4+$0xFFFFFFD0];
	p1 =	slt.u32 s0, $0x30;
	[tilespmem:s7+$0x1EA00] =	vst v4;
	s7 =	sor.u32 $0x70, s9  }
0xce: {  	v4 =	vld [tilespmem:s4+$0xFFFFFFE0];
	[tilespmem:s6+$0x1EA00] =	vst v2;
	s6 =	sor.u32 $0x30, s8;
	s8 =	sor.u32 $0x50, s10  }
0xcf: {  	v2 =	vld [tilespmem:s4+$0xFFFFFFF0];
	[tilespmem:s7+$0x1EA00] =	vst v3  }
0xd0: {  	v3 =	vld [tilespmem:s4+$0x0];
	[tilespmem:s29+$0x10] =	vst v6  }
0xd1: {  	v6 =	vld [tilespmem:s4+$0x10];
	v9 =	vand.u32 $0xFFFF, v8;
	[tilespmem:s6+$0x1EA00] =	vst v7  }
0xd2: {  	v7 =	vshrl.u32 v5, $0x10;
	v5 =	vand.u32 $0xFFFF, v5;
	v10 =	vld [tilespmem:s4+$0x20]  }
0xd3: {  	v11 =	vld [tilespmem:s4+$0xFFFFFFC0];
	v12 =	vshrl.u32 v4, $0x10;
	v4 =	vand.u32 $0xFFFF, v4  }
0xd4: {  	v13 =	vshrl.u32 v2, $0x10;
	v2 =	vand.u32 $0xFFFF, v2;
	v14 =	vld.idx.msk [tilespmem:v1+s14+$0x0], $0xffff  }
0xd5: {  	v15 =	vshrl.u32 v3, $0x10;
	v3 =	vand.u32 $0xFFFF, v3;
	v16 =	vld.idx.msk [tilespmem:v0+s14+$0x0], $0xffff  }
0xd6: {  	v17 =	vshrl.u32 v6, $0x10;
	v6 =	vand.u32 $0xFFFF, v6;
	v9 =	vld.idx.msk [tilespmem:v9+s14+$0x0], $0xffff  }
0xd7: {  	v5 =	vld.idx.msk [tilespmem:v5+s14+$0x0], $0xffff;
	v0 =	vshrl.u32 v10, $0x10;
	v10 =	vand.u32 $0xFFFF, v10  }
0xd8: {  	v8 =	vshrl.u32 v8, $0x10;
	v1 =	vshrl.u32 v11, $0x10;
	v11 =	vand.u32 $0xFFFF, v11;
	v4 =	vld.idx.msk [tilespmem:v4+s14+$0x0], $0xffff  }
0xd9: {  	v2 =	vld.idx.msk [tilespmem:v2+s14+$0x0], $0xffff  }
0xda: {  	v3 =	vld.idx.msk [tilespmem:v3+s14+$0x0], $0xffff;
	[tilespmem:s29+$0xFFFFFF90] =	vst v14  }
0xdb: {  	s29 =	sadd.s32 $0x100, s29;
	v6 =	vld.idx.msk [tilespmem:v6+s14+$0x0], $0xffff;
	[tilespmem:s8+$0x1EA00] =	vst v16  }
0xdc: {  	v10 =	vld.idx.msk [tilespmem:v10+s14+$0x0], $0xffff;
	[tilespmem:s29+$0x60] =	vst v9  }
0xdd: {  	[tilespmem:s29+$0xFFFFFFA0] =	vst v5;
	v8 =	vld.idx.msk [tilespmem:v8+s14+$0x0], $0xffff  }
0xde: {  	v5 =	vld.idx.msk [tilespmem:v11+s14+$0x0], $0xffff;
	[tilespmem:s29+$0xFFFFFFC0] =	vst v4  }
.Ltmp5:
0xdf: {  	v4 =	vld.idx.msk [tilespmem:v7+s14+$0x0], $0xffff;
	[tilespmem:s29+$0xFFFFFFE0] =	vst v2;
	(pc) =	sbr.rel @p1 .LBB2_10-.Ltmp5, $4  }
0xe0: {  	v2 =	vld.idx.msk [tilespmem:v12+s14+$0x0], $0xffff;
	[tilespmem:s29+$0x0] =	vst v3  }
0xe1: {  	s2 =	sadd.s32 $0x100, s2;
	v3 =	vld.idx.msk [tilespmem:v13+s14+$0x0], $0xffff;
	[tilespmem:s29+$0x20] =	vst v6  }
0xe2: {  	s10 =	sor.u32 $0x70, s2;
	s7 =	sadd.s32 $0xFFFFFF40, s2;
	s6 =	sadd.s32 $0xFFFFFF60, s2;
	v6 =	vld.idx.msk [tilespmem:v15+s14+$0x0], $0xffff;
	[tilespmem:s29+$0x40] =	vst v10  }
0xe3: {  	s9 =	sadd.s32 $0xFFFFFF80, s2;
	s4 =	sadd.s32 $0x80, s4;
	s8 =	sadd.s32 $0xFFFFFFC0, s2;
	v7 =	vld.idx.msk [tilespmem:v17+s14+$0x0], $0xffff;
	[tilespmem:s10+$0x1EA00] =	vst v8  }
0xe4: {  	_ =	sdelay $0x2  }
0xe5: {  	[tilespmem:s29+$0xFFFFFF80] =	vst v5;
	s0 =	sor.u32 $0x30, s7  }
0xe6: {  	s7 =	sor.u32 $0x50, s6;
	v0 =	vld.idx.msk [tilespmem:v0+s14+$0x0], $0xffff;
	[tilespmem:s0+$0x1EA00] =	vst v4  }
0xe7: {  	s4 =	sor.u32 $0x70, s9;
	v1 =	vld.idx.msk [tilespmem:v1+s14+$0x0], $0xffff;
	[tilespmem:s7+$0x1EA00] =	vst v2  }
0xe8: {  	[tilespmem:s4+$0x1EA00] =	vst v3  }
0xe9: {  	s9 =	sor.u32 $0x30, s8;
	s2 =	sadd.s32 $0xFFFFFFE0, s2;
	[tilespmem:s29+$0x10] =	vst v6  }
0xea: {  	s10 =	sor.u32 $0x50, s2;
	[tilespmem:s9+$0x1EA00] =	vst v7  }
0xeb: {  	[tilespmem:s10+$0x1EA00] =	vst v0  }
0xec: {  	[tilespmem:s29+$0xFFFFFF90] =	vst v1  }
0xed: {  	[hbm4b:s30+s11] =	stream.strided.scatter [tilespmem:s16], [sflag:$0x3], $0x700, s12, s11, $0x38;
	[tilespmem:$0x1F800] =	vst v63  }
0xee: {  	_ =	swait.ge [sflag:s20], $0x700  }
0xef: {  	[sflag:s20] =	ssyncset.done $0x0  }
0xf0: {  	[sflag:s20] =	ssyncadd.s32 $0xFFFFF900  }
0xf1: {  	v0 =	vld [tilespmem:s28+$0x0]  }
0xf2: {  	v1 =	vld [tilespmem:s28+$0xFFFFFFA0]  }
0xf3: {  	v2 =	vld [tilespmem:s28+$0xFFFFFFB0]  }
0xf4: {  	v3 =	vld [tilespmem:s28+$0xFFFFFFC0]  }
0xf5: {  	v4 =	vld [tilespmem:s28+$0xFFFFFFD0]  }
0xf6: {  	v5 =	vld [tilespmem:s28+$0xFFFFFFE0];
	v6 =	vand.u32 $0xFFFF, v0  }
0xf7: {  	v8 =	vld [tilespmem:s28+$0xFFFFFFF0];
	v7 =	vand.u32 $0xFFFF, v1  }
0xf8: {  	v10 =	vld [tilespmem:s28+$0xFFFFFF90];
	v9 =	vand.u32 $0xFFFF, v2  }
0xf9: {  	v11 =	vand.u32 $0xFFFF, v3  }
0xfa: {  	v12 =	vand.u32 $0xFFFF, v4  }
0xfb: {  	v13 =	vand.u32 $0xFFFF, v5;
	v6 =	vld.idx.msk [tilespmem:v6+s14+$0x0], $0xffff  }
0xfc: {  	v14 =	vand.u32 $0xFFFF, v8;
	v7 =	vld.idx.msk [tilespmem:v7+s14+$0x0], $0xffff  }
0xfd: {  	v15 =	vand.u32 $0xFFFF, v10;
	v9 =	vld.idx.msk [tilespmem:v9+s14+$0x0], $0xffff  }
0xfe: {  	v0 =	vshrl.u32 v0, $0x10;
	v11 =	vld.idx.msk [tilespmem:v11+s14+$0x0], $0xffff  }
0xff: {  	v1 =	vshrl.u32 v1, $0x10;
	v12 =	vld.idx.msk [tilespmem:v12+s14+$0x0], $0xffff  }
0x100: {  	s29 =	simm.s32 $0x1F180;
	v2 =	vshrl.u32 v2, $0x10;
	v13 =	vld.idx.msk [tilespmem:v13+s14+$0x0], $0xffff  }
0x101: {  	v3 =	vshrl.u32 v3, $0x10;
	v14 =	vld.idx.msk [tilespmem:v14+s14+$0x0], $0xffff;
	[tilespmem:s29+$0x60] =	vst v6  }
0x102: {  	v6 =	vshrl.u32 v4, $0x10;
	[tilespmem:s29+$0xFFFFFFA0] =	vst v7;
	v7 =	vshrl.u32 v5, $0x10;
	v5 =	vld.idx.msk [tilespmem:v15+s14+$0x0], $0xffff  }
0x103: {  	s21 =	sshllo.u32 s25, $0x1;
	[tilespmem:s29+$0xFFFFFFC0] =	vst v9;
	v16 =	vld.idx.msk [tilespmem:v0+s14+$0x0], $0xffff  }
0x104: {  	s0 =	smul.u32 $0x3800, s21;
	[tilespmem:s29+$0xFFFFFFE0] =	vst v11;
	v4 =	vld.idx.msk [tilespmem:v1+s14+$0x0], $0xffff  }
0x105: {  	s6 =	simm.s32 $0x40;
	s8 =	simm.s32 $0xA0;
	[tilespmem:s29+$0x0] =	vst v12;
	v2 =	vld.idx.msk [tilespmem:v2+s14+$0x0], $0xffff  }
0x106: {  	s2 =	simm.s32 $0xE0;
	s7 =	simm.s32 $0x20;
	s0 =	sadd.s32 s24, s0;
	[tilespmem:s29+$0x20] =	vst v13;
	v3 =	vld.idx.msk [tilespmem:v3+s14+$0x0], $0xffff  }
0x107: {  	s31 =	sor.u32 $0x70, s2;
	s4 =	sadd.s32 $0x80, s28;
	s0 =	sshrl.u32 s0, $0x3;
	[tilespmem:s29+$0x40] =	vst v14;
	v6 =	vld.idx.msk [tilespmem:v6+s14+$0x0], $0xffff  }
0x108: {  	s9 =	simm.s32 $0x60;
	s30 =	sadd.s32 s5, s0;
	s0 =	simm.s32 $0x0;
	v0 =	vshrl.u32 v8, $0x10;
	v1 =	vshrl.u32 v10, $0x10;
	v7 =	vld.idx.msk [tilespmem:v7+s14+$0x0], $0xffff;
	[tilespmem:s31+$0x1F100] =	vst v16  }
.LBB2_12:
0x109: {  	v8 =	vld [tilespmem:s4+$0x0];
	s0 =	sadd.s32 $0x8, s0;
	[tilespmem:s29+$0xFFFFFF80] =	vst v5;
	s7 =	sor.u32 $0x30, s7;
	s10 =	sadd.s32 $0xFFFFFFE0, s2  }
0x10a: {  	s6 =	sor.u32 $0x50, s6;
	v5 =	vld [tilespmem:s4+$0xFFFFFFA0];
	p1 =	slt.u32 s0, $0x30;
	[tilespmem:s7+$0x1F100] =	vst v4;
	s7 =	sor.u32 $0x70, s9  }
0x10b: {  	v4 =	vld [tilespmem:s4+$0xFFFFFFB0];
	[tilespmem:s6+$0x1F100] =	vst v2;
	s6 =	sor.u32 $0x30, s8;
	s8 =	sor.u32 $0x50, s10  }
0x10c: {  	v2 =	vld [tilespmem:s4+$0xFFFFFFC0];
	[tilespmem:s7+$0x1F100] =	vst v3  }
0x10d: {  	v3 =	vld [tilespmem:s4+$0xFFFFFFD0];
	[tilespmem:s29+$0x10] =	vst v6  }
0x10e: {  	v6 =	vld [tilespmem:s4+$0xFFFFFFE0];
	v9 =	vand.u32 $0xFFFF, v8;
	[tilespmem:s6+$0x1F100] =	vst v7  }
0x10f: {  	v7 =	vshrl.u32 v5, $0x10;
	v5 =	vand.u32 $0xFFFF, v5;
	v10 =	vld [tilespmem:s4+$0xFFFFFFF0]  }
0x110: {  	v11 =	vld [tilespmem:s4+$0xFFFFFF90];
	v12 =	vshrl.u32 v4, $0x10;
	v4 =	vand.u32 $0xFFFF, v4  }
0x111: {  	v13 =	vshrl.u32 v2, $0x10;
	v2 =	vand.u32 $0xFFFF, v2;
	v14 =	vld.idx.msk [tilespmem:v1+s14+$0x0], $0xffff  }
0x112: {  	v15 =	vshrl.u32 v3, $0x10;
	v3 =	vand.u32 $0xFFFF, v3;
	v16 =	vld.idx.msk [tilespmem:v0+s14+$0x0], $0xffff  }
0x113: {  	v17 =	vshrl.u32 v6, $0x10;
	v6 =	vand.u32 $0xFFFF, v6;
	v9 =	vld.idx.msk [tilespmem:v9+s14+$0x0], $0xffff  }
0x114: {  	v5 =	vld.idx.msk [tilespmem:v5+s14+$0x0], $0xffff;
	v0 =	vshrl.u32 v10, $0x10;
	v10 =	vand.u32 $0xFFFF, v10  }
0x115: {  	v8 =	vshrl.u32 v8, $0x10;
	v1 =	vshrl.u32 v11, $0x10;
	v11 =	vand.u32 $0xFFFF, v11;
	v4 =	vld.idx.msk [tilespmem:v4+s14+$0x0], $0xffff  }
0x116: {  	v2 =	vld.idx.msk [tilespmem:v2+s14+$0x0], $0xffff  }
0x117: {  	v3 =	vld.idx.msk [tilespmem:v3+s14+$0x0], $0xffff;
	[tilespmem:s29+$0xFFFFFF90] =	vst v14  }
0x118: {  	s29 =	sadd.s32 $0x100, s29;
	v6 =	vld.idx.msk [tilespmem:v6+s14+$0x0], $0xffff;
	[tilespmem:s8+$0x1F100] =	vst v16  }
0x119: {  	v10 =	vld.idx.msk [tilespmem:v10+s14+$0x0], $0xffff;
	[tilespmem:s29+$0x60] =	vst v9  }
0x11a: {  	[tilespmem:s29+$0xFFFFFFA0] =	vst v5;
	v8 =	vld.idx.msk [tilespmem:v8+s14+$0x0], $0xffff  }
0x11b: {  	v5 =	vld.idx.msk [tilespmem:v11+s14+$0x0], $0xffff;
	[tilespmem:s29+$0xFFFFFFC0] =	vst v4  }
.Ltmp6:
0x11c: {  	v4 =	vld.idx.msk [tilespmem:v7+s14+$0x0], $0xffff;
	[tilespmem:s29+$0xFFFFFFE0] =	vst v2;
	(pc) =	sbr.rel @p1 .LBB2_12-.Ltmp6, $4  }
0x11d: {  	v2 =	vld.idx.msk [tilespmem:v12+s14+$0x0], $0xffff;
	[tilespmem:s29+$0x0] =	vst v3  }
0x11e: {  	s2 =	sadd.s32 $0x100, s2;
	v3 =	vld.idx.msk [tilespmem:v13+s14+$0x0], $0xffff;
	[tilespmem:s29+$0x20] =	vst v6  }
0x11f: {  	s10 =	sor.u32 $0x70, s2;
	s7 =	sadd.s32 $0xFFFFFF40, s2;
	s6 =	sadd.s32 $0xFFFFFF60, s2;
	v6 =	vld.idx.msk [tilespmem:v15+s14+$0x0], $0xffff;
	[tilespmem:s29+$0x40] =	vst v10  }
0x120: {  	s9 =	sadd.s32 $0xFFFFFF80, s2;
	s4 =	sadd.s32 $0x80, s4;
	s8 =	sadd.s32 $0xFFFFFFC0, s2;
	v7 =	vld.idx.msk [tilespmem:v17+s14+$0x0], $0xffff;
	[tilespmem:s10+$0x1F100] =	vst v8  }
0x121: {  	_ =	sdelay $0x2  }
0x122: {  	[tilespmem:s29+$0xFFFFFF80] =	vst v5;
	s0 =	sor.u32 $0x30, s7  }
0x123: {  	s10 =	sor.u32 $0x50, s6;
	v0 =	vld.idx.msk [tilespmem:v0+s14+$0x0], $0xffff;
	[tilespmem:s0+$0x1F100] =	vst v4  }
0x124: {  	s4 =	sor.u32 $0x70, s9;
	s25 =	sadd.s32 $0x1, s25;
	v1 =	vld.idx.msk [tilespmem:v1+s14+$0x0], $0xffff;
	[tilespmem:s10+$0x1F100] =	vst v2  }
0x125: {  	p1 =	sne.s32 s25, $0xE;
	[tilespmem:s4+$0x1F100] =	vst v3  }
.Ltmp7:
0x126: {  	s21 =	sor.u32 $0x30, s8;
	s2 =	sadd.s32 $0xFFFFFFE0, s2;
	[tilespmem:s29+$0x10] =	vst v6;
	(pc) =	sbr.rel @p1 .LBB2_9-.Ltmp7, $4  }
0x127: {  	s31 =	sor.u32 $0x50, s2;
	[tilespmem:s21+$0x1F100] =	vst v7  }
0x128: {  	[tilespmem:s31+$0x1F100] =	vst v0  }
0x129: {  	s26 =	sadd.s32 $0x700, s26;
	s28 =	sadd.s32 $0x700, s28;
	[tilespmem:s29+$0xFFFFFF90] =	vst v1  }
0x12a: {  	[hbm4b:s30+s11] =	stream.strided.scatter [tilespmem:s17], [sflag:$0x4], $0x700, s12, s11, $0x38;
	[tilespmem:$0x1F800] =	vst v63  }
.Ltmp8:
0x12b: {  	(pc) =	sbr.rel @p0 .LBB2_16-.Ltmp8, $1  }
0x12c: {  	_ =	sdelay $0x3  }
0x12d: {  	s0 =	sadd.s32 $0x3, s23  }
0x12e: {  	s2 =	sshrl.u32 s0, $0x3  }
0x12f: {  	s0 =	sshll.u32 s0, $0x7;
	s2 =	smul.u32 $0x62000, s2  }
.Ltmp9:
0x130: {  	s0 =	sand.u32 $0x380, s0;
	(pc) =	sbr.rel .LBB2_2-.Ltmp9, $4  }
0x131: {  	s0 =	sor.u32 s0, s2  }
0x132: {  	s0 =	sshrl.u32 s0, $0x3  }
0x133: {  	s22 =	sadd.s32 $0x1, s22;
	s0 =	sadd.s32 s3, s0  }
0x134: {  	[tilespmem:s14], [sflag:$0x2] =	stream.strided.gather [hbm4b:s0+s11], $0xC400, s12, s11, $0x38;
	[tilespmem:$0x1F800] =	vst v63  }
.LBB2_17:
0x135: {  	_ =	sfence.sel $0x180000  }
0x136: {  	[bflag:$0x0] =	sbarrier.arrive $0xFFFF  }
0x137: {  	_ =	strace $0x90000047  }
0x138: {  	s0 =	stileid.u32;
	[bflag:$0x2] =	sbarrier.arrive $0xFFFF  }
0x139: {  	p0 =	sne.s32 s0, $0x0;
	s0 =	rddreg [dreg:$0x3]  }
0x13a: {  	s0 =	sadd.s32 @!p0 $0x100000, s0  }
0x13b: {  	[sflag:s0] =	ssyncadd.tile.s32 @!p0 $0x1;
	_ =	shalt  }
.Lfunc_end2:
_tile_overlayer_lowered:
.L_overlay_start_2:
0x13c: {  	(tag) =	ssettag $0x2  }
0x13d: {  	s0 =	rddreg [dreg:$0x0];
	s2 =	stileid.u32  }
0x13e: {  	s1 =	rddreg [dreg:$0x1];
	p0 =	sne.s32 s2, $0x0  }
0x13f: {  	s3 =	rddreg [dreg:$0x2];
	[bflag:$0x3] =	sbarrier.arrive $0xFFFF;
	s2 =	simm.s32 @!p0 $0x1C05  }
0x140: {  	[timem:s3], [sflag:s2] =	dma.local @!p0 [hbm:s0], s1  }
0x141: {  	s0 =	simm.s32 @!p0 $0x5  }
0x142: {  	_ =	swait.ge @!p0 [sflag:s0], s1  }
0x143: {  	s1 =	ssub.s32 @!p0 $0x0, s1;
	[sflag:s0] =	ssyncset.done @!p0 $0x0  }
0x144: {  	[sflag:s0] =	ssyncadd.s32 @!p0 s1  }
0x145: {  	[bflag:$0x3] =	sbarrier.arrive $0xFFFF  }
0x146: {  	_ =	shalt  }

</sc_bundles>
